<compile_context>
chip_gen: v7x
topology: tpu7x:2x2x1
jax: 0.10.2.dev20260603
libtpu: 0.0.44.dev20260713+nightly
codegen_flags: <defaults>
</compile_context>

<pallas_src>
import functools

import jax
import jax.numpy as jnp
from jax import lax
from jax.experimental import pallas as pl
from jax.experimental.pallas import tpu as pltpu
from jax.experimental.pallas import tpu_sc as plsc

_N = 10000
_E = 320000
_H = 128
_XW = 16
_NC, _NS = 2, 16
_NW = _NC * _NS
_EW = _E // _NW
_C = 80
_NI = _EW // _C
_EB = 2560
_NB = 2000
_NR = _N // _NS


def _silu(v):
    return v * jax.nn.sigmoid(v)


def _gather_body(ps_hbm, pd_hbm, x16_hbm, src_hbm, dst_hbm,
                 ga_hbm, gb_hbm, xs_hbm, xd_hbm,
                 si0, di0, a0, b0, p0, q0, si1, di1, a1, b1, p1, q1,
                 sa0, sb0, sp0, sq0, sa1, sb1, sp1, sq1):
    c = lax.axis_index("c")
    s = lax.axis_index("s")
    base = (s * _NC + c) * _EW
    slots = (
        (si0, di0, a0, b0, p0, q0, sa0, sb0, sp0, sq0),
        (si1, di1, a1, b1, p1, q1, sa1, sb1, sp1, sq1),
    )

    def fire(slot, off):
        si, di, ba, bb, xs, xd, s1, s2, s3, s4 = slot
        pltpu.sync_copy(src_hbm.at[pl.ds(off, _C)], si)
        pltpu.sync_copy(dst_hbm.at[pl.ds(off, _C)], di)
        pltpu.async_copy(ps_hbm.at[si], ba, s1)
        pltpu.async_copy(pd_hbm.at[di], bb, s2)
        pltpu.async_copy(x16_hbm.at[si], xs, s3)
        pltpu.async_copy(x16_hbm.at[di], xd, s4)

    def drain_write(slot, off):
        si, di, ba, bb, xs, xd, s1, s2, s3, s4 = slot
        pltpu.make_async_copy(ps_hbm.at[si], ba, s1).wait()
        pltpu.make_async_copy(pd_hbm.at[di], bb, s2).wait()
        pltpu.make_async_copy(x16_hbm.at[si], xs, s3).wait()
        pltpu.make_async_copy(x16_hbm.at[di], xd, s4).wait()
        pltpu.sync_copy(ba, ga_hbm.at[pl.ds(off, _C)])
        pltpu.sync_copy(bb, gb_hbm.at[pl.ds(off, _C)])
        pltpu.sync_copy(xs, xs_hbm.at[pl.ds(off, _C)])
        pltpu.sync_copy(xd, xd_hbm.at[pl.ds(off, _C)])

    npairs = _NI // 2
    fire(slots[0], base)

    def step(i, carry):
        fire(slots[1], base + (2 * i + 1) * _C)
        drain_write(slots[0], base + 2 * i * _C)

        @pl.when(i < npairs - 1)
        def _():
            fire(slots[0], base + (2 * i + 2) * _C)

        drain_write(slots[1], base + (2 * i + 1) * _C)
        return carry

    lax.fori_loop(0, npairs, step, 0)
    fire(slots[0], base + (_NI - 1) * _C)
    drain_write(slots[0], base + (_NI - 1) * _C)


_gather = pl.kernel(
    _gather_body,
    out_type=[
        jax.ShapeDtypeStruct((_E, _H), jnp.float32),
        jax.ShapeDtypeStruct((_E, _H), jnp.float32),
        jax.ShapeDtypeStruct((_E, _XW), jnp.float32),
        jax.ShapeDtypeStruct((_E, _XW), jnp.float32),
    ],
    mesh=plsc.VectorSubcoreMesh(core_axis_name="c", subcore_axis_name="s",
                                num_cores=_NC, num_subcores=_NS),
    scratch_types=(
        [pltpu.VMEM((_C,), jnp.int32), pltpu.VMEM((_C,), jnp.int32),
         pltpu.VMEM((_C, _H), jnp.float32), pltpu.VMEM((_C, _H), jnp.float32),
         pltpu.VMEM((_C, _XW), jnp.float32), pltpu.VMEM((_C, _XW), jnp.float32)] * 2
        + [pltpu.SemaphoreType.DMA] * 8
    ),
    compiler_params=pltpu.CompilerParams(use_tc_tiling_on_sc=False),
)


def _scatter_body(m_hbm, coord_hbm, dst_hbm, z1_hbm, z2_hbm,
                  p1_hbm, p2_hbm,
                  di, mbuf, cbuf, st1, st2, a1, a2):
    c = lax.axis_index("c")
    s = lax.axis_index("s")
    base = (s * _NC + c) * _EW
    r0 = s * 624
    nch = 39 + jnp.where(s == _NS - 1, 1, 0)

    pltpu.sync_copy(z1_hbm, st1)
    pltpu.sync_copy(z2_hbm, st2)

    def istep(i, carry):
        pltpu.sync_copy(st1, a1.at[pl.ds(r0 + i * 16, 16)])
        pltpu.sync_copy(st2, a2.at[pl.ds(r0 + i * 16, 16)])
        return carry

    lax.fori_loop(0, nch, istep, 0)
    plsc.subcore_barrier()

    def step(i, carry):
        off = base + i * _C
        pltpu.sync_copy(dst_hbm.at[pl.ds(off, _C)], di)
        pltpu.sync_copy(m_hbm.at[pl.ds(off, _C)], mbuf)
        pltpu.sync_copy(coord_hbm.at[pl.ds(off, _C)], cbuf)
        pltpu.sync_copy(mbuf, a1.at[di], add=True)
        pltpu.sync_copy(cbuf, a2.at[di], add=True)
        return carry

    lax.fori_loop(0, _NI, step, 0)
    plsc.subcore_barrier()

    def wstep(i, carry):
        rows = pl.ds(r0 + i * 16, 16)
        pltpu.sync_copy(a1.at[rows], st1)
        pltpu.sync_copy(st1, p1_hbm.at[c, rows])
        pltpu.sync_copy(a2.at[rows], st2)
        pltpu.sync_copy(st2, p2_hbm.at[c, rows])
        return carry

    lax.fori_loop(0, nch, wstep, 0)


_scatter = pl.kernel(
    _scatter_body,
    out_type=[
        jax.ShapeDtypeStruct((_NC, _N, _H), jnp.float32),
        jax.ShapeDtypeStruct((_NC, _N, _XW), jnp.float32),
    ],
    mesh=plsc.VectorSubcoreMesh(core_axis_name="c", subcore_axis_name="s",
                                num_cores=_NC, num_subcores=_NS),
    scratch_types=[
        pltpu.VMEM((_C,), jnp.int32),
        pltpu.VMEM((_C, _H), jnp.float32),
        pltpu.VMEM((_C, _XW), jnp.float32),
        pltpu.VMEM((16, _H), jnp.float32),
        pltpu.VMEM((16, _XW), jnp.float32),
        pltpu.VMEM_SHARED((_N, _H), jnp.float32),
        pltpu.VMEM_SHARED((_N, _XW), jnp.float32),
    ],
    compiler_params=pltpu.CompilerParams(use_tc_tiling_on_sc=False),
)


def _proj_body(h, w1a, w1b, be1, ps, pd):
    hv = h[...]
    ps[...] = jnp.dot(hv, w1a[...], preferred_element_type=jnp.float32) + be1[...]
    pd[...] = jnp.dot(hv, w1b[...], preferred_element_type=jnp.float32)


def _edge_mlp_body(ga, gb, xs, xd, ea, w1c, wd, we2, be2, wa, ba,
                   wx1, bx1, wx2, bx2, mo, co):
    diff = xs[...] - xd[...]
    dist = jnp.sum(diff * diff, axis=1, keepdims=True)
    pre = (ga[...] + gb[...] + dist * wd[...]
           + jnp.dot(ea[...], w1c[...], preferred_element_type=jnp.float32))
    bf = jnp.bfloat16
    m1 = jnp.dot(_silu(pre).astype(bf), we2[...].astype(bf),
                 preferred_element_type=jnp.float32) + be2[...]
    att = jax.nn.sigmoid(jnp.dot(m1, wa[...], preferred_element_type=jnp.float32) + ba[...])
    m = att * m1
    t = _silu(jnp.dot(m.astype(bf), wx1[...].astype(bf),
                      preferred_element_type=jnp.float32) + bx1[...])
    cw = jnp.tanh(jnp.dot(t, wx2[...], preferred_element_type=jnp.float32) + bx2[...])
    mo[...] = m
    lane = lax.broadcasted_iota(jnp.int32, diff.shape, 1)
    co[...] = jnp.where(lane == 3, 1.0, diff * cw)


def _final_body(h, p1, p2, x16, wh1, bh1, wh2, bh2, ho, xo):
    msg = p1[0] + p1[1]
    cs = p2[0] + p2[1]
    nb = cs[:, 3:4]
    hv = h[...]
    hcat = jnp.concatenate([hv, msg], axis=1)
    u = _silu(jnp.dot(hcat, wh1[...], preferred_element_type=jnp.float32) + bh1[...])
    ho[...] = hv + jnp.dot(u, wh2[...], preferred_element_type=jnp.float32) + bh2[...]
    xo[...] = x16[...] + cs * (1.0 / (nb + 1.0))


def _full_spec(shape):
    return pl.BlockSpec(shape, lambda i: tuple(0 for _ in shape))


def kernel(h, x, edge_index, edge_attr, We1, be1, We2, be2, Wa, ba,
           Wx1, bx1, Wx2, bx2, Wh1, bh1, Wh2, bh2):
    f32 = jnp.float32
    src = edge_index[0]
    dst = edge_index[1]
    x16 = jnp.pad(x, ((0, 0), (0, _XW - 3)))
    w1a = We1[:_H]
    w1b = We1[_H:2 * _H]
    wd = We1[2 * _H:2 * _H + 1]
    w1c = We1[2 * _H + 1:]
    be1r = be1.reshape(1, _H)
    be2r = be2.reshape(1, _H)
    bar = ba.reshape(1, 1)
    bx1r = bx1.reshape(1, _H)
    bx2r = bx2.reshape(1, 1)
    bh1r = bh1.reshape(1, _H)
    bh2r = bh2.reshape(1, _H)

    nb_grid = _N // _NB
    ps, pd = pl.pallas_call(
        _proj_body,
        grid=(nb_grid,),
        in_specs=[
            pl.BlockSpec((_NB, _H), lambda i: (i, 0)),
            _full_spec((_H, _H)),
            _full_spec((_H, _H)),
            _full_spec((1, _H)),
        ],
        out_specs=[
            pl.BlockSpec((_NB, _H), lambda i: (i, 0)),
            pl.BlockSpec((_NB, _H), lambda i: (i, 0)),
        ],
        out_shape=[
            jax.ShapeDtypeStruct((_N, _H), f32),
            jax.ShapeDtypeStruct((_N, _H), f32),
        ],
    )(h, w1a, w1b, be1r)

    ga, gb, xs, xd = _gather(ps, pd, x16, src, dst)

    eb_grid = _E // _EB
    m, coord = pl.pallas_call(
        _edge_mlp_body,
        grid=(eb_grid,),
        in_specs=[
            pl.BlockSpec((_EB, _H), lambda i: (i, 0)),
            pl.BlockSpec((_EB, _H), lambda i: (i, 0)),
            pl.BlockSpec((_EB, _XW), lambda i: (i, 0)),
            pl.BlockSpec((_EB, _XW), lambda i: (i, 0)),
            pl.BlockSpec((_EB, _XW), lambda i: (i, 0)),
            _full_spec((_XW, _H)),
            _full_spec((1, _H)),
            _full_spec((_H, _H)),
            _full_spec((1, _H)),
            _full_spec((_H, 1)),
            _full_spec((1, 1)),
            _full_spec((_H, _H)),
            _full_spec((1, _H)),
            _full_spec((_H, 1)),
            _full_spec((1, 1)),
        ],
        out_specs=[
            pl.BlockSpec((_EB, _H), lambda i: (i, 0)),
            pl.BlockSpec((_EB, _XW), lambda i: (i, 0)),
        ],
        out_shape=[
            jax.ShapeDtypeStruct((_E, _H), f32),
            jax.ShapeDtypeStruct((_E, _XW), f32),
        ],
    )(ga, gb, xs, xd, edge_attr, w1c, wd, We2, be2r, Wa, bar,
      Wx1, bx1r, Wx2, bx2r)

    z1 = jnp.zeros((16, _H), f32)
    z2 = jnp.zeros((16, _XW), f32)
    p1, p2 = _scatter(m, coord, dst, z1, z2)

    ho, xo = pl.pallas_call(
        _final_body,
        grid=(nb_grid,),
        in_specs=[
            pl.BlockSpec((_NB, _H), lambda i: (i, 0)),
            pl.BlockSpec((_NC, _NB, _H), lambda i: (0, i, 0)),
            pl.BlockSpec((_NC, _NB, _XW), lambda i: (0, i, 0)),
            pl.BlockSpec((_NB, _XW), lambda i: (i, 0)),
            _full_spec((2 * _H, _H)),
            _full_spec((1, _H)),
            _full_spec((_H, _H)),
            _full_spec((1, _H)),
        ],
        out_specs=[
            pl.BlockSpec((_NB, _H), lambda i: (i, 0)),
            pl.BlockSpec((_NB, _XW), lambda i: (i, 0)),
        ],
        out_shape=[
            jax.ShapeDtypeStruct((_N, _H), f32),
            jax.ShapeDtypeStruct((_N, _XW), f32),
        ],
    )(h, p1, p2, x16, Wh1, bh1r, Wh2, bh2r)

    return ho, xo[:, :3]

# --- scband reference (transcript-rebuilt; emitter-appended) ---
"""Pipeline reference for scband-egnnblock-23012434772667 (READ-ONLY COPY).

The authoritative reference and input builder live on the scoring server;
editing this copy changes nothing except your own understanding.
"""

import jax, jax.numpy as jnp
import numpy as np

N = 10000
E = 320000
H = 128
ED = 16

def silu(v):
    return v * jax.nn.sigmoid(v)

def _lin(k, fan_in, fan_out):
    s = 1.0 / np.sqrt(fan_in)
    return jax.random.uniform(k, (fan_in, fan_out), minval=-s, maxval=s, dtype=jnp.float32)

def _bias(k, fan_in, fan_out):
    s = 1.0 / np.sqrt(fan_in)
    return jax.random.uniform(k, (fan_out,), minval=-s, maxval=s, dtype=jnp.float32)

def setup_inputs(seed: int = 0) -> dict:
    key = jax.random.key(seed)
    ks = jax.random.split(key, 32)
    edge_in = 2 * H + 1 + ED
    inp = {
        "h": jax.random.normal(ks[0], (N, H), dtype=jnp.float32),
        "x": jax.random.normal(ks[1], (N, 3), dtype=jnp.float32),
        "edge_index": jax.random.randint(ks[2], (2, E), 0, N, dtype=jnp.int32),
        "edge_attr": jax.random.normal(ks[3], (E, ED), dtype=jnp.float32),
        "We1": _lin(ks[4], edge_in, H), "be1": _bias(ks[5], edge_in, H),
        "We2": _lin(ks[6], H, H),       "be2": _bias(ks[7], H, H),
        "Wa":  _lin(ks[8], H, 1),       "ba":  _bias(ks[9], H, 1),
        "Wx1": _lin(ks[10], H, H),      "bx1": _bias(ks[11], H, H),
        "Wx2": _lin(ks[12], H, 1),      "bx2": _bias(ks[13], H, 1),
        "Wh1": _lin(ks[14], 2 * H, H),  "bh1": _bias(ks[15], 2 * H, H),
        "Wh2": _lin(ks[16], H, H),      "bh2": _bias(ks[17], H, H),
    }
    return inp

def reference(h, x, edge_index, edge_attr, We1, be1, We2, be2, Wa, ba, Wx1, bx1, Wx2, bx2, Wh1, bh1, Wh2, bh2):
    src = edge_index[0]
    dst = edge_index[1]
    diff = x[src] - x[dst]
    dist_sq = jnp.sum(diff ** 2, axis=-1, keepdims=True)
    msg_input = jnp.concatenate([h[src], h[dst], dist_sq, edge_attr], axis=-1)
    m = silu(msg_input @ We1 + be1) @ We2 + be2
    att = jax.nn.sigmoid(m @ Wa + ba)
    m = att * m
    coord_weight = jnp.tanh(silu(m @ Wx1 + bx1) @ Wx2 + bx2)
    coord_shift = diff * coord_weight
    coord_agg = jax.ops.segment_sum(coord_shift, dst, num_segments=N)
    num_nb = jax.ops.segment_sum(jnp.ones((E, 1), dtype=x.dtype), dst, num_segments=N)
    coord_agg = coord_agg / (num_nb + 1.0)
    x_out = x + coord_agg
    msg_agg = jax.ops.segment_sum(m, dst, num_segments=N)
    h_input = jnp.concatenate([h, msg_agg], axis=-1)
    h_out = h + (silu(h_input @ Wh1 + bh1) @ Wh2 + bh2)
    return (h_out, x_out)

if __name__ == "__main__":
    import jax
    _d = setup_inputs()
    print(jax.jit(kernel)(*tuple(_d.values())))

</pallas_src>

<mosaic_0001>
#map = affine_map<(d0, d1) -> (0, 0)>
#map1 = affine_map<(d0, d1) -> (0)>
module attributes {stable_mosaic.version = 14 : i64} {
  func.func @_gather_body(%arg0: i32, %arg1: i32, %arg2: memref<10000x128xf32, #tpu.memory_space<hbm>>, %arg3: memref<10000x128xf32, #tpu.memory_space<hbm>>, %arg4: memref<10000x16xf32, #tpu.memory_space<hbm>>, %arg5: memref<320000xi32, #tpu.memory_space<hbm>>, %arg6: memref<320000xi32, #tpu.memory_space<hbm>>, %arg7: memref<320000x128xf32, #tpu.memory_space<hbm>>, %arg8: memref<320000x128xf32, #tpu.memory_space<hbm>>, %arg9: memref<320000x16xf32, #tpu.memory_space<hbm>>, %arg10: memref<320000x16xf32, #tpu.memory_space<hbm>>, %arg11: memref<80xi32, #tpu.memory_space<vmem>>, %arg12: memref<80xi32, #tpu.memory_space<vmem>>, %arg13: memref<80x128xf32, #tpu.memory_space<vmem>>, %arg14: memref<80x128xf32, #tpu.memory_space<vmem>>, %arg15: memref<80x16xf32, #tpu.memory_space<vmem>>, %arg16: memref<80x16xf32, #tpu.memory_space<vmem>>, %arg17: memref<80xi32, #tpu.memory_space<vmem>>, %arg18: memref<80xi32, #tpu.memory_space<vmem>>, %arg19: memref<80x128xf32, #tpu.memory_space<vmem>>, %arg20: memref<80x128xf32, #tpu.memory_space<vmem>>, %arg21: memref<80x16xf32, #tpu.memory_space<vmem>>, %arg22: memref<80x16xf32, #tpu.memory_space<vmem>>, %arg23: memref<!tpu.dma_semaphore, #tpu.memory_space<semaphore_mem>>, %arg24: memref<!tpu.dma_semaphore, #tpu.memory_space<semaphore_mem>>, %arg25: memref<!tpu.dma_semaphore, #tpu.memory_space<semaphore_mem>>, %arg26: memref<!tpu.dma_semaphore, #tpu.memory_space<semaphore_mem>>, %arg27: memref<!tpu.dma_semaphore, #tpu.memory_space<semaphore_mem>>, %arg28: memref<!tpu.dma_semaphore, #tpu.memory_space<semaphore_mem>>, %arg29: memref<!tpu.dma_semaphore, #tpu.memory_space<semaphore_mem>>, %arg30: memref<!tpu.dma_semaphore, #tpu.memory_space<semaphore_mem>>) attributes {dimension_semantics = [#tpu.dimension_semantics<core_parallel>, #tpu.dimension_semantics<subcore_parallel>], iteration_bounds = array<i64: 2, 16>, scalar_prefetch = 0 : i64, scratch_operands = 20 : i64, tpu.core_type = #tpu.core_type<sc_vector_subcore>, window_params = [{transform_indices = #map}, {transform_indices = #map}, {transform_indices = #map}, {transform_indices = #map1}, {transform_indices = #map1}, {transform_indices = #map}, {transform_indices = #map}, {transform_indices = #map}, {transform_indices = #map}]} {
    %mul3A = arith.constant 2 : i32
    %mul3A_0 = arith.muli %arg1, %mul3A : i32
    %add3A = arith.addi %mul3A_0, %arg0 : i32
    %mul3A_1 = arith.constant 10000 : i32
    %mul3A_2 = arith.muli %add3A, %mul3A_1 : i32
    "tpu.region"() ({
      %run_scoped3A = tpu.sem_alloc : memref<!tpu.dma_semaphore, #tpu.memory_space<semaphore_mem>>
      %dma_start3A_46 = tpu.memref_slice %arg5[%mul3A_2] : memref<320000xi32, #tpu.memory_space<hbm>> -> memref<80xi32, #tpu.memory_space<hbm>>
      %dma_start3A_47 = tpu.memref_slice %arg5[%mul3A_2] : memref<320000xi32, #tpu.memory_space<hbm>> -> memref<80xi32, #tpu.memory_space<hbm>>
      tpu.enqueue_dma source(%dma_start3A_47 : memref<80xi32, #tpu.memory_space<hbm>>) target(%arg11 : memref<80xi32, #tpu.memory_space<vmem>>) target_semaphore(%run_scoped3A : memref<!tpu.dma_semaphore, #tpu.memory_space<semaphore_mem>>)
      %dma_wait3A_48 = tpu.memref_slice %arg5[%mul3A_2] : memref<320000xi32, #tpu.memory_space<hbm>> -> memref<80xi32, #tpu.memory_space<hbm>>
      %dma_wait3A_49 = tpu.memref_slice %arg5[%mul3A_2] : memref<320000xi32, #tpu.memory_space<hbm>> -> memref<80xi32, #tpu.memory_space<hbm>>
      tpu.wait_dma2 semaphore(%run_scoped3A : memref<!tpu.dma_semaphore, #tpu.memory_space<semaphore_mem>>) src(%dma_wait3A_49 : memref<80xi32, #tpu.memory_space<hbm>>) dst(%arg11 : memref<80xi32, #tpu.memory_space<vmem>>)
      tpu.yield
    }) : () -> ()
    "tpu.region"() ({
      %run_scoped3A = tpu.sem_alloc : memref<!tpu.dma_semaphore, #tpu.memory_space<semaphore_mem>>
      %dma_start3A_46 = tpu.memref_slice %arg6[%mul3A_2] : memref<320000xi32, #tpu.memory_space<hbm>> -> memref<80xi32, #tpu.memory_space<hbm>>
      %dma_start3A_47 = tpu.memref_slice %arg6[%mul3A_2] : memref<320000xi32, #tpu.memory_space<hbm>> -> memref<80xi32, #tpu.memory_space<hbm>>
      tpu.enqueue_dma source(%dma_start3A_47 : memref<80xi32, #tpu.memory_space<hbm>>) target(%arg12 : memref<80xi32, #tpu.memory_space<vmem>>) target_semaphore(%run_scoped3A : memref<!tpu.dma_semaphore, #tpu.memory_space<semaphore_mem>>)
      %dma_wait3A_48 = tpu.memref_slice %arg6[%mul3A_2] : memref<320000xi32, #tpu.memory_space<hbm>> -> memref<80xi32, #tpu.memory_space<hbm>>
      %dma_wait3A_49 = tpu.memref_slice %arg6[%mul3A_2] : memref<320000xi32, #tpu.memory_space<hbm>> -> memref<80xi32, #tpu.memory_space<hbm>>
      tpu.wait_dma2 semaphore(%run_scoped3A : memref<!tpu.dma_semaphore, #tpu.memory_space<semaphore_mem>>) src(%dma_wait3A_49 : memref<80xi32, #tpu.memory_space<hbm>>) dst(%arg12 : memref<80xi32, #tpu.memory_space<vmem>>)
      tpu.yield
    }) : () -> ()
    %dma_start3A = arith.constant 0 : i32
    %dma_start3A_3 = arith.constant 0 : i32
    %dma_start3A_4 = tpu.memref_slice %arg2[%dma_start3A, %dma_start3A_3] : memref<10000x128xf32, #tpu.memory_space<hbm>> -> memref<10000x128xf32, #tpu.memory_space<hbm>>
    tpu.enqueue_indirect_dma source(%dma_start3A_4 : memref<10000x128xf32, #tpu.memory_space<hbm>>) target(%arg13 : memref<80x128xf32, #tpu.memory_space<vmem>>) offsets(%arg11 : memref<80xi32, #tpu.memory_space<vmem>>) semaphore(%arg23 : memref<!tpu.dma_semaphore, #tpu.memory_space<semaphore_mem>>)
    %dma_start3A_5 = arith.constant 0 : i32
    %dma_start3A_6 = arith.constant 0 : i32
    %dma_start3A_7 = tpu.memref_slice %arg3[%dma_start3A_5, %dma_start3A_6] : memref<10000x128xf32, #tpu.memory_space<hbm>> -> memref<10000x128xf32, #tpu.memory_space<hbm>>
    tpu.enqueue_indirect_dma source(%dma_start3A_7 : memref<10000x128xf32, #tpu.memory_space<hbm>>) target(%arg14 : memref<80x128xf32, #tpu.memory_space<vmem>>) offsets(%arg12 : memref<80xi32, #tpu.memory_space<vmem>>) semaphore(%arg24 : memref<!tpu.dma_semaphore, #tpu.memory_space<semaphore_mem>>)
    %dma_start3A_8 = arith.constant 0 : i32
    %dma_start3A_9 = arith.constant 0 : i32
    %dma_start3A_10 = tpu.memref_slice %arg4[%dma_start3A_8, %dma_start3A_9] : memref<10000x16xf32, #tpu.memory_space<hbm>> -> memref<10000x16xf32, #tpu.memory_space<hbm>>
    tpu.enqueue_indirect_dma source(%dma_start3A_10 : memref<10000x16xf32, #tpu.memory_space<hbm>>) target(%arg15 : memref<80x16xf32, #tpu.memory_space<vmem>>) offsets(%arg11 : memref<80xi32, #tpu.memory_space<vmem>>) semaphore(%arg25 : memref<!tpu.dma_semaphore, #tpu.memory_space<semaphore_mem>>)
    %dma_start3A_11 = arith.constant 0 : i32
    %dma_start3A_12 = arith.constant 0 : i32
    %dma_start3A_13 = tpu.memref_slice %arg4[%dma_start3A_11, %dma_start3A_12] : memref<10000x16xf32, #tpu.memory_space<hbm>> -> memref<10000x16xf32, #tpu.memory_space<hbm>>
    tpu.enqueue_indirect_dma source(%dma_start3A_13 : memref<10000x16xf32, #tpu.memory_space<hbm>>) target(%arg16 : memref<80x16xf32, #tpu.memory_space<vmem>>) offsets(%arg12 : memref<80xi32, #tpu.memory_space<vmem>>) semaphore(%arg26 : memref<!tpu.dma_semaphore, #tpu.memory_space<semaphore_mem>>)
    %scan3A = arith.constant 0 : i32
    %scan3A_14 = arith.constant 0 : i32
    %scan3A_15 = arith.constant 62 : i32
    %scan3A_16 = arith.addi %scan3A_14, %scan3A_15 : i32
    %scan3A_17 = arith.constant 1 : i32
    scf.for %scan3A_46 = %scan3A_14 to %scan3A_16 step %scan3A_17  : i32 {
      %mul3A_47 = arith.constant 2 : i32
      %mul3A_48 = arith.muli %mul3A_47, %scan3A_46 : i32
      %add3A_49 = arith.constant 1 : i32
      %add3A_50 = arith.addi %mul3A_48, %add3A_49 : i32
      %mul3A_51 = arith.constant 80 : i32
      %mul3A_52 = arith.muli %add3A_50, %mul3A_51 : i32
      %add3A_53 = arith.addi %mul3A_2, %mul3A_52 : i32
      "tpu.region"() ({
        %run_scoped3A = tpu.sem_alloc : memref<!tpu.dma_semaphore, #tpu.memory_space<semaphore_mem>>
        %dma_start3A_104 = tpu.memref_slice %arg5[%add3A_53] : memref<320000xi32, #tpu.memory_space<hbm>> -> memref<80xi32, #tpu.memory_space<hbm>>
        %dma_start3A_105 = tpu.memref_slice %arg5[%add3A_53] : memref<320000xi32, #tpu.memory_space<hbm>> -> memref<80xi32, #tpu.memory_space<hbm>>
        tpu.enqueue_dma source(%dma_start3A_105 : memref<80xi32, #tpu.memory_space<hbm>>) target(%arg17 : memref<80xi32, #tpu.memory_space<vmem>>) target_semaphore(%run_scoped3A : memref<!tpu.dma_semaphore, #tpu.memory_space<semaphore_mem>>)
        %dma_wait3A_106 = tpu.memref_slice %arg5[%add3A_53] : memref<320000xi32, #tpu.memory_space<hbm>> -> memref<80xi32, #tpu.memory_space<hbm>>
        %dma_wait3A_107 = tpu.memref_slice %arg5[%add3A_53] : memref<320000xi32, #tpu.memory_space<hbm>> -> memref<80xi32, #tpu.memory_space<hbm>>
        tpu.wait_dma2 semaphore(%run_scoped3A : memref<!tpu.dma_semaphore, #tpu.memory_space<semaphore_mem>>) src(%dma_wait3A_107 : memref<80xi32, #tpu.memory_space<hbm>>) dst(%arg17 : memref<80xi32, #tpu.memory_space<vmem>>)
        tpu.yield
      }) : () -> ()
      "tpu.region"() ({
        %run_scoped3A = tpu.sem_alloc : memref<!tpu.dma_semaphore, #tpu.memory_space<semaphore_mem>>
        %dma_start3A_104 = tpu.memref_slice %arg6[%add3A_53] : memref<320000xi32, #tpu.memory_space<hbm>> -> memref<80xi32, #tpu.memory_space<hbm>>
        %dma_start3A_105 = tpu.memref_slice %arg6[%add3A_53] : memref<320000xi32, #tpu.memory_space<hbm>> -> memref<80xi32, #tpu.memory_space<hbm>>
        tpu.enqueue_dma source(%dma_start3A_105 : memref<80xi32, #tpu.memory_space<hbm>>) target(%arg18 : memref<80xi32, #tpu.memory_space<vmem>>) target_semaphore(%run_scoped3A : memref<!tpu.dma_semaphore, #tpu.memory_space<semaphore_mem>>)
        %dma_wait3A_106 = tpu.memref_slice %arg6[%add3A_53] : memref<320000xi32, #tpu.memory_space<hbm>> -> memref<80xi32, #tpu.memory_space<hbm>>
        %dma_wait3A_107 = tpu.memref_slice %arg6[%add3A_53] : memref<320000xi32, #tpu.memory_space<hbm>> -> memref<80xi32, #tpu.memory_space<hbm>>
        tpu.wait_dma2 semaphore(%run_scoped3A : memref<!tpu.dma_semaphore, #tpu.memory_space<semaphore_mem>>) src(%dma_wait3A_107 : memref<80xi32, #tpu.memory_space<hbm>>) dst(%arg18 : memref<80xi32, #tpu.memory_space<vmem>>)
        tpu.yield
      }) : () -> ()
      %dma_start3A_54 = arith.constant 0 : i32
      %dma_start3A_55 = arith.constant 0 : i32
      %dma_start3A_56 = tpu.memref_slice %arg2[%dma_start3A_54, %dma_start3A_55] : memref<10000x128xf32, #tpu.memory_space<hbm>> -> memref<10000x128xf32, #tpu.memory_space<hbm>>
      tpu.enqueue_indirect_dma source(%dma_start3A_56 : memref<10000x128xf32, #tpu.memory_space<hbm>>) target(%arg19 : memref<80x128xf32, #tpu.memory_space<vmem>>) offsets(%arg17 : memref<80xi32, #tpu.memory_space<vmem>>) semaphore(%arg27 : memref<!tpu.dma_semaphore, #tpu.memory_space<semaphore_mem>>)
      %dma_start3A_57 = arith.constant 0 : i32
      %dma_start3A_58 = arith.constant 0 : i32
      %dma_start3A_59 = tpu.memref_slice %arg3[%dma_start3A_57, %dma_start3A_58] : memref<10000x128xf32, #tpu.memory_space<hbm>> -> memref<10000x128xf32, #tpu.memory_space<hbm>>
      tpu.enqueue_indirect_dma source(%dma_start3A_59 : memref<10000x128xf32, #tpu.memory_space<hbm>>) target(%arg20 : memref<80x128xf32, #tpu.memory_space<vmem>>) offsets(%arg18 : memref<80xi32, #tpu.memory_space<vmem>>) semaphore(%arg28 : memref<!tpu.dma_semaphore, #tpu.memory_space<semaphore_mem>>)
      %dma_start3A_60 = arith.constant 0 : i32
      %dma_start3A_61 = arith.constant 0 : i32
      %dma_start3A_62 = tpu.memref_slice %arg4[%dma_start3A_60, %dma_start3A_61] : memref<10000x16xf32, #tpu.memory_space<hbm>> -> memref<10000x16xf32, #tpu.memory_space<hbm>>
      tpu.enqueue_indirect_dma source(%dma_start3A_62 : memref<10000x16xf32, #tpu.memory_space<hbm>>) target(%arg21 : memref<80x16xf32, #tpu.memory_space<vmem>>) offsets(%arg17 : memref<80xi32, #tpu.memory_space<vmem>>) semaphore(%arg29 : memref<!tpu.dma_semaphore, #tpu.memory_space<semaphore_mem>>)
      %dma_start3A_63 = arith.constant 0 : i32
      %dma_start3A_64 = arith.constant 0 : i32
      %dma_start3A_65 = tpu.memref_slice %arg4[%dma_start3A_63, %dma_start3A_64] : memref<10000x16xf32, #tpu.memory_space<hbm>> -> memref<10000x16xf32, #tpu.memory_space<hbm>>
      tpu.enqueue_indirect_dma source(%dma_start3A_65 : memref<10000x16xf32, #tpu.memory_space<hbm>>) target(%arg22 : memref<80x16xf32, #tpu.memory_space<vmem>>) offsets(%arg18 : memref<80xi32, #tpu.memory_space<vmem>>) semaphore(%arg30 : memref<!tpu.dma_semaphore, #tpu.memory_space<semaphore_mem>>)
      %mul3A_66 = arith.constant 2 : i32
      %mul3A_67 = arith.muli %mul3A_66, %scan3A_46 : i32
      %mul3A_68 = arith.constant 80 : i32
      %mul3A_69 = arith.muli %mul3A_67, %mul3A_68 : i32
      %add3A_70 = arith.addi %mul3A_2, %mul3A_69 : i32
      %dma_wait3A_71 = arith.constant 0 : i32
      %dma_wait3A_72 = arith.constant 0 : i32
      %dma_wait3A_73 = tpu.memref_slice %arg2[%dma_wait3A_71, %dma_wait3A_72] : memref<10000x128xf32, #tpu.memory_space<hbm>> -> memref<10000x128xf32, #tpu.memory_space<hbm>>
      tpu.wait_indirect_dma semaphore(%arg23 : memref<!tpu.dma_semaphore, #tpu.memory_space<semaphore_mem>>) src(%dma_wait3A_73 : memref<10000x128xf32, #tpu.memory_space<hbm>>) dst(%arg13 : memref<80x128xf32, #tpu.memory_space<vmem>>)
      %dma_wait3A_74 = arith.constant 0 : i32
      %dma_wait3A_75 = arith.constant 0 : i32
      %dma_wait3A_76 = tpu.memref_slice %arg3[%dma_wait3A_74, %dma_wait3A_75] : memref<10000x128xf32, #tpu.memory_space<hbm>> -> memref<10000x128xf32, #tpu.memory_space<hbm>>
      tpu.wait_indirect_dma semaphore(%arg24 : memref<!tpu.dma_semaphore, #tpu.memory_space<semaphore_mem>>) src(%dma_wait3A_76 : memref<10000x128xf32, #tpu.memory_space<hbm>>) dst(%arg14 : memref<80x128xf32, #tpu.memory_space<vmem>>)
      %dma_wait3A_77 = arith.constant 0 : i32
      %dma_wait3A_78 = arith.constant 0 : i32
      %dma_wait3A_79 = tpu.memref_slice %arg4[%dma_wait3A_77, %dma_wait3A_78] : memref<10000x16xf32, #tpu.memory_space<hbm>> -> memref<10000x16xf32, #tpu.memory_space<hbm>>
      tpu.wait_indirect_dma semaphore(%arg25 : memref<!tpu.dma_semaphore, #tpu.memory_space<semaphore_mem>>) src(%dma_wait3A_79 : memref<10000x16xf32, #tpu.memory_space<hbm>>) dst(%arg15 : memref<80x16xf32, #tpu.memory_space<vmem>>)
      %dma_wait3A_80 = arith.constant 0 : i32
      %dma_wait3A_81 = arith.constant 0 : i32
      %dma_wait3A_82 = tpu.memref_slice %arg4[%dma_wait3A_80, %dma_wait3A_81] : memref<10000x16xf32, #tpu.memory_space<hbm>> -> memref<10000x16xf32, #tpu.memory_space<hbm>>
      tpu.wait_indirect_dma semaphore(%arg26 : memref<!tpu.dma_semaphore, #tpu.memory_space<semaphore_mem>>) src(%dma_wait3A_82 : memref<10000x16xf32, #tpu.memory_space<hbm>>) dst(%arg16 : memref<80x16xf32, #tpu.memory_space<vmem>>)
      "tpu.region"() ({
        %run_scoped3A = tpu.sem_alloc : memref<!tpu.dma_semaphore, #tpu.memory_space<semaphore_mem>>
        %dma_start3A_104 = arith.constant 0 : i32
        %dma_start3A_105 = tpu.memref_slice %arg7[%add3A_70, %dma_start3A_104] : memref<320000x128xf32, #tpu.memory_space<hbm>> -> memref<80x128xf32, #tpu.memory_space<hbm>>
        %dma_start3A_106 = arith.constant 0 : i32
        %dma_start3A_107 = tpu.memref_slice %arg7[%add3A_70, %dma_start3A_106] : memref<320000x128xf32, #tpu.memory_space<hbm>> -> memref<80x128xf32, #tpu.memory_space<hbm>>
        tpu.enqueue_dma source(%arg13 : memref<80x128xf32, #tpu.memory_space<vmem>>) target(%dma_start3A_107 : memref<80x128xf32, #tpu.memory_space<hbm>>) target_semaphore(%run_scoped3A : memref<!tpu.dma_semaphore, #tpu.memory_space<semaphore_mem>>)
        %dma_wait3A_108 = arith.constant 0 : i32
        %dma_wait3A_109 = tpu.memref_slice %arg7[%add3A_70, %dma_wait3A_108] : memref<320000x128xf32, #tpu.memory_space<hbm>> -> memref<80x128xf32, #tpu.memory_space<hbm>>
        %dma_wait3A_110 = arith.constant 0 : i32
        %dma_wait3A_111 = tpu.memref_slice %arg7[%add3A_70, %dma_wait3A_110] : memref<320000x128xf32, #tpu.memory_space<hbm>> -> memref<80x128xf32, #tpu.memory_space<hbm>>
        tpu.wait_dma2 semaphore(%run_scoped3A : memref<!tpu.dma_semaphore, #tpu.memory_space<semaphore_mem>>) src(%arg13 : memref<80x128xf32, #tpu.memory_space<vmem>>) dst(%dma_wait3A_111 : memref<80x128xf32, #tpu.memory_space<hbm>>)
        tpu.yield
      }) : () -> ()
      "tpu.region"() ({
        %run_scoped3A = tpu.sem_alloc : memref<!tpu.dma_semaphore, #tpu.memory_space<semaphore_mem>>
        %dma_start3A_104 = arith.constant 0 : i32
        %dma_start3A_105 = tpu.memref_slice %arg8[%add3A_70, %dma_start3A_104] : memref<320000x128xf32, #tpu.memory_space<hbm>> -> memref<80x128xf32, #tpu.memory_space<hbm>>
        %dma_start3A_106 = arith.constant 0 : i32
        %dma_start3A_107 = tpu.memref_slice %arg8[%add3A_70, %dma_start3A_106] : memref<320000x128xf32, #tpu.memory_space<hbm>> -> memref<80x128xf32, #tpu.memory_space<hbm>>
        tpu.enqueue_dma source(%arg14 : memref<80x128xf32, #tpu.memory_space<vmem>>) target(%dma_start3A_107 : memref<80x128xf32, #tpu.memory_space<hbm>>) target_semaphore(%run_scoped3A : memref<!tpu.dma_semaphore, #tpu.memory_space<semaphore_mem>>)
        %dma_wait3A_108 = arith.constant 0 : i32
        %dma_wait3A_109 = tpu.memref_slice %arg8[%add3A_70, %dma_wait3A_108] : memref<320000x128xf32, #tpu.memory_space<hbm>> -> memref<80x128xf32, #tpu.memory_space<hbm>>
        %dma_wait3A_110 = arith.constant 0 : i32
        %dma_wait3A_111 = tpu.memref_slice %arg8[%add3A_70, %dma_wait3A_110] : memref<320000x128xf32, #tpu.memory_space<hbm>> -> memref<80x128xf32, #tpu.memory_space<hbm>>
        tpu.wait_dma2 semaphore(%run_scoped3A : memref<!tpu.dma_semaphore, #tpu.memory_space<semaphore_mem>>) src(%arg14 : memref<80x128xf32, #tpu.memory_space<vmem>>) dst(%dma_wait3A_111 : memref<80x128xf32, #tpu.memory_space<hbm>>)
        tpu.yield
      }) : () -> ()
      "tpu.region"() ({
        %run_scoped3A = tpu.sem_alloc : memref<!tpu.dma_semaphore, #tpu.memory_space<semaphore_mem>>
        %dma_start3A_104 = arith.constant 0 : i32
        %dma_start3A_105 = tpu.memref_slice %arg9[%add3A_70, %dma_start3A_104] : memref<320000x16xf32, #tpu.memory_space<hbm>> -> memref<80x16xf32, #tpu.memory_space<hbm>>
        %dma_start3A_106 = arith.constant 0 : i32
        %dma_start3A_107 = tpu.memref_slice %arg9[%add3A_70, %dma_start3A_106] : memref<320000x16xf32, #tpu.memory_space<hbm>> -> memref<80x16xf32, #tpu.memory_space<hbm>>
        tpu.enqueue_dma source(%arg15 : memref<80x16xf32, #tpu.memory_space<vmem>>) target(%dma_start3A_107 : memref<80x16xf32, #tpu.memory_space<hbm>>) target_semaphore(%run_scoped3A : memref<!tpu.dma_semaphore, #tpu.memory_space<semaphore_mem>>)
        %dma_wait3A_108 = arith.constant 0 : i32
        %dma_wait3A_109 = tpu.memref_slice %arg9[%add3A_70, %dma_wait3A_108] : memref<320000x16xf32, #tpu.memory_space<hbm>> -> memref<80x16xf32, #tpu.memory_space<hbm>>
        %dma_wait3A_110 = arith.constant 0 : i32
        %dma_wait3A_111 = tpu.memref_slice %arg9[%add3A_70, %dma_wait3A_110] : memref<320000x16xf32, #tpu.memory_space<hbm>> -> memref<80x16xf32, #tpu.memory_space<hbm>>
        tpu.wait_dma2 semaphore(%run_scoped3A : memref<!tpu.dma_semaphore, #tpu.memory_space<semaphore_mem>>) src(%arg15 : memref<80x16xf32, #tpu.memory_space<vmem>>) dst(%dma_wait3A_111 : memref<80x16xf32, #tpu.memory_space<hbm>>)
        tpu.yield
      }) : () -> ()
      "tpu.region"() ({
        %run_scoped3A = tpu.sem_alloc : memref<!tpu.dma_semaphore, #tpu.memory_space<semaphore_mem>>
        %dma_start3A_104 = arith.constant 0 : i32
        %dma_start3A_105 = tpu.memref_slice %arg10[%add3A_70, %dma_start3A_104] : memref<320000x16xf32, #tpu.memory_space<hbm>> -> memref<80x16xf32, #tpu.memory_space<hbm>>
        %dma_start3A_106 = arith.constant 0 : i32
        %dma_start3A_107 = tpu.memref_slice %arg10[%add3A_70, %dma_start3A_106] : memref<320000x16xf32, #tpu.memory_space<hbm>> -> memref<80x16xf32, #tpu.memory_space<hbm>>
        tpu.enqueue_dma source(%arg16 : memref<80x16xf32, #tpu.memory_space<vmem>>) target(%dma_start3A_107 : memref<80x16xf32, #tpu.memory_space<hbm>>) target_semaphore(%run_scoped3A : memref<!tpu.dma_semaphore, #tpu.memory_space<semaphore_mem>>)
        %dma_wait3A_108 = arith.constant 0 : i32
        %dma_wait3A_109 = tpu.memref_slice %arg10[%add3A_70, %dma_wait3A_108] : memref<320000x16xf32, #tpu.memory_space<hbm>> -> memref<80x16xf32, #tpu.memory_space<hbm>>
        %dma_wait3A_110 = arith.constant 0 : i32
        %dma_wait3A_111 = tpu.memref_slice %arg10[%add3A_70, %dma_wait3A_110] : memref<320000x16xf32, #tpu.memory_space<hbm>> -> memref<80x16xf32, #tpu.memory_space<hbm>>
        tpu.wait_dma2 semaphore(%run_scoped3A : memref<!tpu.dma_semaphore, #tpu.memory_space<semaphore_mem>>) src(%arg16 : memref<80x16xf32, #tpu.memory_space<vmem>>) dst(%dma_wait3A_111 : memref<80x16xf32, #tpu.memory_space<hbm>>)
        tpu.yield
      }) : () -> ()
      %lt3A = arith.constant 61 : i32
      %lt3A_83 = arith.cmpi slt, %scan3A_46, %lt3A : i32
      %convert_element_type3A = arith.extui %lt3A_83 : i1 to i32
      %cond3A = arith.constant 0 : i32
      %cond3A_84 = arith.cmpi ne, %convert_element_type3A, %cond3A : i32
      scf.if %cond3A_84 {
        %mul3A_104 = arith.constant 2 : i32
        %mul3A_105 = arith.muli %mul3A_104, %scan3A_46 : i32
        %add3A_106 = arith.constant 2 : i32
        %add3A_107 = arith.addi %mul3A_105, %add3A_106 : i32
        %mul3A_108 = arith.constant 80 : i32
        %mul3A_109 = arith.muli %add3A_107, %mul3A_108 : i32
        %add3A_110 = arith.addi %mul3A_2, %mul3A_109 : i32
        "tpu.region"() ({
          %run_scoped3A = tpu.sem_alloc : memref<!tpu.dma_semaphore, #tpu.memory_space<semaphore_mem>>
          %dma_start3A_123 = tpu.memref_slice %arg5[%add3A_110] : memref<320000xi32, #tpu.memory_space<hbm>> -> memref<80xi32, #tpu.memory_space<hbm>>
          %dma_start3A_124 = tpu.memref_slice %arg5[%add3A_110] : memref<320000xi32, #tpu.memory_space<hbm>> -> memref<80xi32, #tpu.memory_space<hbm>>
          tpu.enqueue_dma source(%dma_start3A_124 : memref<80xi32, #tpu.memory_space<hbm>>) target(%arg11 : memref<80xi32, #tpu.memory_space<vmem>>) target_semaphore(%run_scoped3A : memref<!tpu.dma_semaphore, #tpu.memory_space<semaphore_mem>>)
          %dma_wait3A_125 = tpu.memref_slice %arg5[%add3A_110] : memref<320000xi32, #tpu.memory_space<hbm>> -> memref<80xi32, #tpu.memory_space<hbm>>
          %dma_wait3A_126 = tpu.memref_slice %arg5[%add3A_110] : memref<320000xi32, #tpu.memory_space<hbm>> -> memref<80xi32, #tpu.memory_space<hbm>>
          tpu.wait_dma2 semaphore(%run_scoped3A : memref<!tpu.dma_semaphore, #tpu.memory_space<semaphore_mem>>) src(%dma_wait3A_126 : memref<80xi32, #tpu.memory_space<hbm>>) dst(%arg11 : memref<80xi32, #tpu.memory_space<vmem>>)
          tpu.yield
        }) : () -> ()
        "tpu.region"() ({
          %run_scoped3A = tpu.sem_alloc : memref<!tpu.dma_semaphore, #tpu.memory_space<semaphore_mem>>
          %dma_start3A_123 = tpu.memref_slice %arg6[%add3A_110] : memref<320000xi32, #tpu.memory_space<hbm>> -> memref<80xi32, #tpu.memory_space<hbm>>
          %dma_start3A_124 = tpu.memref_slice %arg6[%add3A_110] : memref<320000xi32, #tpu.memory_space<hbm>> -> memref<80xi32, #tpu.memory_space<hbm>>
          tpu.enqueue_dma source(%dma_start3A_124 : memref<80xi32, #tpu.memory_space<hbm>>) target(%arg12 : memref<80xi32, #tpu.memory_space<vmem>>) target_semaphore(%run_scoped3A : memref<!tpu.dma_semaphore, #tpu.memory_space<semaphore_mem>>)
          %dma_wait3A_125 = tpu.memref_slice %arg6[%add3A_110] : memref<320000xi32, #tpu.memory_space<hbm>> -> memref<80xi32, #tpu.memory_space<hbm>>
          %dma_wait3A_126 = tpu.memref_slice %arg6[%add3A_110] : memref<320000xi32, #tpu.memory_space<hbm>> -> memref<80xi32, #tpu.memory_space<hbm>>
          tpu.wait_dma2 semaphore(%run_scoped3A : memref<!tpu.dma_semaphore, #tpu.memory_space<semaphore_mem>>) src(%dma_wait3A_126 : memref<80xi32, #tpu.memory_space<hbm>>) dst(%arg12 : memref<80xi32, #tpu.memory_space<vmem>>)
          tpu.yield
        }) : () -> ()
        %dma_start3A_111 = arith.constant 0 : i32
        %dma_start3A_112 = arith.constant 0 : i32
        %dma_start3A_113 = tpu.memref_slice %arg2[%dma_start3A_111, %dma_start3A_112] : memref<10000x128xf32, #tpu.memory_space<hbm>> -> memref<10000x128xf32, #tpu.memory_space<hbm>>
        tpu.enqueue_indirect_dma source(%dma_start3A_113 : memref<10000x128xf32, #tpu.memory_space<hbm>>) target(%arg13 : memref<80x128xf32, #tpu.memory_space<vmem>>) offsets(%arg11 : memref<80xi32, #tpu.memory_space<vmem>>) semaphore(%arg23 : memref<!tpu.dma_semaphore, #tpu.memory_space<semaphore_mem>>)
        %dma_start3A_114 = arith.constant 0 : i32
        %dma_start3A_115 = arith.constant 0 : i32
        %dma_start3A_116 = tpu.memref_slice %arg3[%dma_start3A_114, %dma_start3A_115] : memref<10000x128xf32, #tpu.memory_space<hbm>> -> memref<10000x128xf32, #tpu.memory_space<hbm>>
        tpu.enqueue_indirect_dma source(%dma_start3A_116 : memref<10000x128xf32, #tpu.memory_space<hbm>>) target(%arg14 : memref<80x128xf32, #tpu.memory_space<vmem>>) offsets(%arg12 : memref<80xi32, #tpu.memory_space<vmem>>) semaphore(%arg24 : memref<!tpu.dma_semaphore, #tpu.memory_space<semaphore_mem>>)
        %dma_start3A_117 = arith.constant 0 : i32
        %dma_start3A_118 = arith.constant 0 : i32
        %dma_start3A_119 = tpu.memref_slice %arg4[%dma_start3A_117, %dma_start3A_118] : memref<10000x16xf32, #tpu.memory_space<hbm>> -> memref<10000x16xf32, #tpu.memory_space<hbm>>
        tpu.enqueue_indirect_dma source(%dma_start3A_119 : memref<10000x16xf32, #tpu.memory_space<hbm>>) target(%arg15 : memref<80x16xf32, #tpu.memory_space<vmem>>) offsets(%arg11 : memref<80xi32, #tpu.memory_space<vmem>>) semaphore(%arg25 : memref<!tpu.dma_semaphore, #tpu.memory_space<semaphore_mem>>)
        %dma_start3A_120 = arith.constant 0 : i32
        %dma_start3A_121 = arith.constant 0 : i32
        %dma_start3A_122 = tpu.memref_slice %arg4[%dma_start3A_120, %dma_start3A_121] : memref<10000x16xf32, #tpu.memory_space<hbm>> -> memref<10000x16xf32, #tpu.memory_space<hbm>>
        tpu.enqueue_indirect_dma source(%dma_start3A_122 : memref<10000x16xf32, #tpu.memory_space<hbm>>) target(%arg16 : memref<80x16xf32, #tpu.memory_space<vmem>>) offsets(%arg12 : memref<80xi32, #tpu.memory_space<vmem>>) semaphore(%arg26 : memref<!tpu.dma_semaphore, #tpu.memory_space<semaphore_mem>>)
      } else {
      }
      %mul3A_85 = arith.constant 2 : i32
      %mul3A_86 = arith.muli %mul3A_85, %scan3A_46 : i32
      %add3A_87 = arith.constant 1 : i32
      %add3A_88 = arith.addi %mul3A_86, %add3A_87 : i32
      %mul3A_89 = arith.constant 80 : i32
      %mul3A_90 = arith.muli %add3A_88, %mul3A_89 : i32
      %add3A_91 = arith.addi %mul3A_2, %mul3A_90 : i32
      %dma_wait3A_92 = arith.constant 0 : i32
      %dma_wait3A_93 = arith.constant 0 : i32
      %dma_wait3A_94 = tpu.memref_slice %arg2[%dma_wait3A_92, %dma_wait3A_93] : memref<10000x128xf32, #tpu.memory_space<hbm>> -> memref<10000x128xf32, #tpu.memory_space<hbm>>
      tpu.wait_indirect_dma semaphore(%arg27 : memref<!tpu.dma_semaphore, #tpu.memory_space<semaphore_mem>>) src(%dma_wait3A_94 : memref<10000x128xf32, #tpu.memory_space<hbm>>) dst(%arg19 : memref<80x128xf32, #tpu.memory_space<vmem>>)
      %dma_wait3A_95 = arith.constant 0 : i32
      %dma_wait3A_96 = arith.constant 0 : i32
      %dma_wait3A_97 = tpu.memref_slice %arg3[%dma_wait3A_95, %dma_wait3A_96] : memref<10000x128xf32, #tpu.memory_space<hbm>> -> memref<10000x128xf32, #tpu.memory_space<hbm>>
      tpu.wait_indirect_dma semaphore(%arg28 : memref<!tpu.dma_semaphore, #tpu.memory_space<semaphore_mem>>) src(%dma_wait3A_97 : memref<10000x128xf32, #tpu.memory_space<hbm>>) dst(%arg20 : memref<80x128xf32, #tpu.memory_space<vmem>>)
      %dma_wait3A_98 = arith.constant 0 : i32
      %dma_wait3A_99 = arith.constant 0 : i32
      %dma_wait3A_100 = tpu.memref_slice %arg4[%dma_wait3A_98, %dma_wait3A_99] : memref<10000x16xf32, #tpu.memory_space<hbm>> -> memref<10000x16xf32, #tpu.memory_space<hbm>>
      tpu.wait_indirect_dma semaphore(%arg29 : memref<!tpu.dma_semaphore, #tpu.memory_space<semaphore_mem>>) src(%dma_wait3A_100 : memref<10000x16xf32, #tpu.memory_space<hbm>>) dst(%arg21 : memref<80x16xf32, #tpu.memory_space<vmem>>)
      %dma_wait3A_101 = arith.constant 0 : i32
      %dma_wait3A_102 = arith.constant 0 : i32
      %dma_wait3A_103 = tpu.memref_slice %arg4[%dma_wait3A_101, %dma_wait3A_102] : memref<10000x16xf32, #tpu.memory_space<hbm>> -> memref<10000x16xf32, #tpu.memory_space<hbm>>
      tpu.wait_indirect_dma semaphore(%arg30 : memref<!tpu.dma_semaphore, #tpu.memory_space<semaphore_mem>>) src(%dma_wait3A_103 : memref<10000x16xf32, #tpu.memory_space<hbm>>) dst(%arg22 : memref<80x16xf32, #tpu.memory_space<vmem>>)
      "tpu.region"() ({
        %run_scoped3A = tpu.sem_alloc : memref<!tpu.dma_semaphore, #tpu.memory_space<semaphore_mem>>
        %dma_start3A_104 = arith.constant 0 : i32
        %dma_start3A_105 = tpu.memref_slice %arg7[%add3A_91, %dma_start3A_104] : memref<320000x128xf32, #tpu.memory_space<hbm>> -> memref<80x128xf32, #tpu.memory_space<hbm>>
        %dma_start3A_106 = arith.constant 0 : i32
        %dma_start3A_107 = tpu.memref_slice %arg7[%add3A_91, %dma_start3A_106] : memref<320000x128xf32, #tpu.memory_space<hbm>> -> memref<80x128xf32, #tpu.memory_space<hbm>>
        tpu.enqueue_dma source(%arg19 : memref<80x128xf32, #tpu.memory_space<vmem>>) target(%dma_start3A_107 : memref<80x128xf32, #tpu.memory_space<hbm>>) target_semaphore(%run_scoped3A : memref<!tpu.dma_semaphore, #tpu.memory_space<semaphore_mem>>)
        %dma_wait3A_108 = arith.constant 0 : i32
        %dma_wait3A_109 = tpu.memref_slice %arg7[%add3A_91, %dma_wait3A_108] : memref<320000x128xf32, #tpu.memory_space<hbm>> -> memref<80x128xf32, #tpu.memory_space<hbm>>
        %dma_wait3A_110 = arith.constant 0 : i32
        %dma_wait3A_111 = tpu.memref_slice %arg7[%add3A_91, %dma_wait3A_110] : memref<320000x128xf32, #tpu.memory_space<hbm>> -> memref<80x128xf32, #tpu.memory_space<hbm>>
        tpu.wait_dma2 semaphore(%run_scoped3A : memref<!tpu.dma_semaphore, #tpu.memory_space<semaphore_mem>>) src(%arg19 : memref<80x128xf32, #tpu.memory_space<vmem>>) dst(%dma_wait3A_111 : memref<80x128xf32, #tpu.memory_space<hbm>>)
        tpu.yield
      }) : () -> ()
      "tpu.region"() ({
        %run_scoped3A = tpu.sem_alloc : memref<!tpu.dma_semaphore, #tpu.memory_space<semaphore_mem>>
        %dma_start3A_104 = arith.constant 0 : i32
        %dma_start3A_105 = tpu.memref_slice %arg8[%add3A_91, %dma_start3A_104] : memref<320000x128xf32, #tpu.memory_space<hbm>> -> memref<80x128xf32, #tpu.memory_space<hbm>>
        %dma_start3A_106 = arith.constant 0 : i32
        %dma_start3A_107 = tpu.memref_slice %arg8[%add3A_91, %dma_start3A_106] : memref<320000x128xf32, #tpu.memory_space<hbm>> -> memref<80x128xf32, #tpu.memory_space<hbm>>
        tpu.enqueue_dma source(%arg20 : memref<80x128xf32, #tpu.memory_space<vmem>>) target(%dma_start3A_107 : memref<80x128xf32, #tpu.memory_space<hbm>>) target_semaphore(%run_scoped3A : memref<!tpu.dma_semaphore, #tpu.memory_space<semaphore_mem>>)
        %dma_wait3A_108 = arith.constant 0 : i32
        %dma_wait3A_109 = tpu.memref_slice %arg8[%add3A_91, %dma_wait3A_108] : memref<320000x128xf32, #tpu.memory_space<hbm>> -> memref<80x128xf32, #tpu.memory_space<hbm>>
        %dma_wait3A_110 = arith.constant 0 : i32
        %dma_wait3A_111 = tpu.memref_slice %arg8[%add3A_91, %dma_wait3A_110] : memref<320000x128xf32, #tpu.memory_space<hbm>> -> memref<80x128xf32, #tpu.memory_space<hbm>>
        tpu.wait_dma2 semaphore(%run_scoped3A : memref<!tpu.dma_semaphore, #tpu.memory_space<semaphore_mem>>) src(%arg20 : memref<80x128xf32, #tpu.memory_space<vmem>>) dst(%dma_wait3A_111 : memref<80x128xf32, #tpu.memory_space<hbm>>)
        tpu.yield
      }) : () -> ()
      "tpu.region"() ({
        %run_scoped3A = tpu.sem_alloc : memref<!tpu.dma_semaphore, #tpu.memory_space<semaphore_mem>>
        %dma_start3A_104 = arith.constant 0 : i32
        %dma_start3A_105 = tpu.memref_slice %arg9[%add3A_91, %dma_start3A_104] : memref<320000x16xf32, #tpu.memory_space<hbm>> -> memref<80x16xf32, #tpu.memory_space<hbm>>
        %dma_start3A_106 = arith.constant 0 : i32
        %dma_start3A_107 = tpu.memref_slice %arg9[%add3A_91, %dma_start3A_106] : memref<320000x16xf32, #tpu.memory_space<hbm>> -> memref<80x16xf32, #tpu.memory_space<hbm>>
        tpu.enqueue_dma source(%arg21 : memref<80x16xf32, #tpu.memory_space<vmem>>) target(%dma_start3A_107 : memref<80x16xf32, #tpu.memory_space<hbm>>) target_semaphore(%run_scoped3A : memref<!tpu.dma_semaphore, #tpu.memory_space<semaphore_mem>>)
        %dma_wait3A_108 = arith.constant 0 : i32
        %dma_wait3A_109 = tpu.memref_slice %arg9[%add3A_91, %dma_wait3A_108] : memref<320000x16xf32, #tpu.memory_space<hbm>> -> memref<80x16xf32, #tpu.memory_space<hbm>>
        %dma_wait3A_110 = arith.constant 0 : i32
        %dma_wait3A_111 = tpu.memref_slice %arg9[%add3A_91, %dma_wait3A_110] : memref<320000x16xf32, #tpu.memory_space<hbm>> -> memref<80x16xf32, #tpu.memory_space<hbm>>
        tpu.wait_dma2 semaphore(%run_scoped3A : memref<!tpu.dma_semaphore, #tpu.memory_space<semaphore_mem>>) src(%arg21 : memref<80x16xf32, #tpu.memory_space<vmem>>) dst(%dma_wait3A_111 : memref<80x16xf32, #tpu.memory_space<hbm>>)
        tpu.yield
      }) : () -> ()
      "tpu.region"() ({
        %run_scoped3A = tpu.sem_alloc : memref<!tpu.dma_semaphore, #tpu.memory_space<semaphore_mem>>
        %dma_start3A_104 = arith.constant 0 : i32
        %dma_start3A_105 = tpu.memref_slice %arg10[%add3A_91, %dma_start3A_104] : memref<320000x16xf32, #tpu.memory_space<hbm>> -> memref<80x16xf32, #tpu.memory_space<hbm>>
        %dma_start3A_106 = arith.constant 0 : i32
        %dma_start3A_107 = tpu.memref_slice %arg10[%add3A_91, %dma_start3A_106] : memref<320000x16xf32, #tpu.memory_space<hbm>> -> memref<80x16xf32, #tpu.memory_space<hbm>>
        tpu.enqueue_dma source(%arg22 : memref<80x16xf32, #tpu.memory_space<vmem>>) target(%dma_start3A_107 : memref<80x16xf32, #tpu.memory_space<hbm>>) target_semaphore(%run_scoped3A : memref<!tpu.dma_semaphore, #tpu.memory_space<semaphore_mem>>)
        %dma_wait3A_108 = arith.constant 0 : i32
        %dma_wait3A_109 = tpu.memref_slice %arg10[%add3A_91, %dma_wait3A_108] : memref<320000x16xf32, #tpu.memory_space<hbm>> -> memref<80x16xf32, #tpu.memory_space<hbm>>
        %dma_wait3A_110 = arith.constant 0 : i32
        %dma_wait3A_111 = tpu.memref_slice %arg10[%add3A_91, %dma_wait3A_110] : memref<320000x16xf32, #tpu.memory_space<hbm>> -> memref<80x16xf32, #tpu.memory_space<hbm>>
        tpu.wait_dma2 semaphore(%run_scoped3A : memref<!tpu.dma_semaphore, #tpu.memory_space<semaphore_mem>>) src(%arg22 : memref<80x16xf32, #tpu.memory_space<vmem>>) dst(%dma_wait3A_111 : memref<80x16xf32, #tpu.memory_space<hbm>>)
        tpu.yield
      }) : () -> ()
    }
    %scan3A_18 = arith.constant 62 : i32
    %add3A_19 = arith.constant 9920 : i32
    %add3A_20 = arith.addi %mul3A_2, %add3A_19 : i32
    "tpu.region"() ({
      %run_scoped3A = tpu.sem_alloc : memref<!tpu.dma_semaphore, #tpu.memory_space<semaphore_mem>>
      %dma_start3A_46 = tpu.memref_slice %arg5[%add3A_20] : memref<320000xi32, #tpu.memory_space<hbm>> -> memref<80xi32, #tpu.memory_space<hbm>>
      %dma_start3A_47 = tpu.memref_slice %arg5[%add3A_20] : memref<320000xi32, #tpu.memory_space<hbm>> -> memref<80xi32, #tpu.memory_space<hbm>>
      tpu.enqueue_dma source(%dma_start3A_47 : memref<80xi32, #tpu.memory_space<hbm>>) target(%arg11 : memref<80xi32, #tpu.memory_space<vmem>>) target_semaphore(%run_scoped3A : memref<!tpu.dma_semaphore, #tpu.memory_space<semaphore_mem>>)
      %dma_wait3A_48 = tpu.memref_slice %arg5[%add3A_20] : memref<320000xi32, #tpu.memory_space<hbm>> -> memref<80xi32, #tpu.memory_space<hbm>>
      %dma_wait3A_49 = tpu.memref_slice %arg5[%add3A_20] : memref<320000xi32, #tpu.memory_space<hbm>> -> memref<80xi32, #tpu.memory_space<hbm>>
      tpu.wait_dma2 semaphore(%run_scoped3A : memref<!tpu.dma_semaphore, #tpu.memory_space<semaphore_mem>>) src(%dma_wait3A_49 : memref<80xi32, #tpu.memory_space<hbm>>) dst(%arg11 : memref<80xi32, #tpu.memory_space<vmem>>)
      tpu.yield
    }) : () -> ()
    "tpu.region"() ({
      %run_scoped3A = tpu.sem_alloc : memref<!tpu.dma_semaphore, #tpu.memory_space<semaphore_mem>>
      %dma_start3A_46 = tpu.memref_slice %arg6[%add3A_20] : memref<320000xi32, #tpu.memory_space<hbm>> -> memref<80xi32, #tpu.memory_space<hbm>>
      %dma_start3A_47 = tpu.memref_slice %arg6[%add3A_20] : memref<320000xi32, #tpu.memory_space<hbm>> -> memref<80xi32, #tpu.memory_space<hbm>>
      tpu.enqueue_dma source(%dma_start3A_47 : memref<80xi32, #tpu.memory_space<hbm>>) target(%arg12 : memref<80xi32, #tpu.memory_space<vmem>>) target_semaphore(%run_scoped3A : memref<!tpu.dma_semaphore, #tpu.memory_space<semaphore_mem>>)
      %dma_wait3A_48 = tpu.memref_slice %arg6[%add3A_20] : memref<320000xi32, #tpu.memory_space<hbm>> -> memref<80xi32, #tpu.memory_space<hbm>>
      %dma_wait3A_49 = tpu.memref_slice %arg6[%add3A_20] : memref<320000xi32, #tpu.memory_space<hbm>> -> memref<80xi32, #tpu.memory_space<hbm>>
      tpu.wait_dma2 semaphore(%run_scoped3A : memref<!tpu.dma_semaphore, #tpu.memory_space<semaphore_mem>>) src(%dma_wait3A_49 : memref<80xi32, #tpu.memory_space<hbm>>) dst(%arg12 : memref<80xi32, #tpu.memory_space<vmem>>)
      tpu.yield
    }) : () -> ()
    %dma_start3A_21 = arith.constant 0 : i32
    %dma_start3A_22 = arith.constant 0 : i32
    %dma_start3A_23 = tpu.memref_slice %arg2[%dma_start3A_21, %dma_start3A_22] : memref<10000x128xf32, #tpu.memory_space<hbm>> -> memref<10000x128xf32, #tpu.memory_space<hbm>>
    tpu.enqueue_indirect_dma source(%dma_start3A_23 : memref<10000x128xf32, #tpu.memory_space<hbm>>) target(%arg13 : memref<80x128xf32, #tpu.memory_space<vmem>>) offsets(%arg11 : memref<80xi32, #tpu.memory_space<vmem>>) semaphore(%arg23 : memref<!tpu.dma_semaphore, #tpu.memory_space<semaphore_mem>>)
    %dma_start3A_24 = arith.constant 0 : i32
    %dma_start3A_25 = arith.constant 0 : i32
    %dma_start3A_26 = tpu.memref_slice %arg3[%dma_start3A_24, %dma_start3A_25] : memref<10000x128xf32, #tpu.memory_space<hbm>> -> memref<10000x128xf32, #tpu.memory_space<hbm>>
    tpu.enqueue_indirect_dma source(%dma_start3A_26 : memref<10000x128xf32, #tpu.memory_space<hbm>>) target(%arg14 : memref<80x128xf32, #tpu.memory_space<vmem>>) offsets(%arg12 : memref<80xi32, #tpu.memory_space<vmem>>) semaphore(%arg24 : memref<!tpu.dma_semaphore, #tpu.memory_space<semaphore_mem>>)
    %dma_start3A_27 = arith.constant 0 : i32
    %dma_start3A_28 = arith.constant 0 : i32
    %dma_start3A_29 = tpu.memref_slice %arg4[%dma_start3A_27, %dma_start3A_28] : memref<10000x16xf32, #tpu.memory_space<hbm>> -> memref<10000x16xf32, #tpu.memory_space<hbm>>
    tpu.enqueue_indirect_dma source(%dma_start3A_29 : memref<10000x16xf32, #tpu.memory_space<hbm>>) target(%arg15 : memref<80x16xf32, #tpu.memory_space<vmem>>) offsets(%arg11 : memref<80xi32, #tpu.memory_space<vmem>>) semaphore(%arg25 : memref<!tpu.dma_semaphore, #tpu.memory_space<semaphore_mem>>)
    %dma_start3A_30 = arith.constant 0 : i32
    %dma_start3A_31 = arith.constant 0 : i32
    %dma_start3A_32 = tpu.memref_slice %arg4[%dma_start3A_30, %dma_start3A_31] : memref<10000x16xf32, #tpu.memory_space<hbm>> -> memref<10000x16xf32, #tpu.memory_space<hbm>>
    tpu.enqueue_indirect_dma source(%dma_start3A_32 : memref<10000x16xf32, #tpu.memory_space<hbm>>) target(%arg16 : memref<80x16xf32, #tpu.memory_space<vmem>>) offsets(%arg12 : memref<80xi32, #tpu.memory_space<vmem>>) semaphore(%arg26 : memref<!tpu.dma_semaphore, #tpu.memory_space<semaphore_mem>>)
    %add3A_33 = arith.constant 9920 : i32
    %add3A_34 = arith.addi %mul3A_2, %add3A_33 : i32
    %dma_wait3A = arith.constant 0 : i32
    %dma_wait3A_35 = arith.constant 0 : i32
    %dma_wait3A_36 = tpu.memref_slice %arg2[%dma_wait3A, %dma_wait3A_35] : memref<10000x128xf32, #tpu.memory_space<hbm>> -> memref<10000x128xf32, #tpu.memory_space<hbm>>
    tpu.wait_indirect_dma semaphore(%arg23 : memref<!tpu.dma_semaphore, #tpu.memory_space<semaphore_mem>>) src(%dma_wait3A_36 : memref<10000x128xf32, #tpu.memory_space<hbm>>) dst(%arg13 : memref<80x128xf32, #tpu.memory_space<vmem>>)
    %dma_wait3A_37 = arith.constant 0 : i32
    %dma_wait3A_38 = arith.constant 0 : i32
    %dma_wait3A_39 = tpu.memref_slice %arg3[%dma_wait3A_37, %dma_wait3A_38] : memref<10000x128xf32, #tpu.memory_space<hbm>> -> memref<10000x128xf32, #tpu.memory_space<hbm>>
    tpu.wait_indirect_dma semaphore(%arg24 : memref<!tpu.dma_semaphore, #tpu.memory_space<semaphore_mem>>) src(%dma_wait3A_39 : memref<10000x128xf32, #tpu.memory_space<hbm>>) dst(%arg14 : memref<80x128xf32, #tpu.memory_space<vmem>>)
    %dma_wait3A_40 = arith.constant 0 : i32
    %dma_wait3A_41 = arith.constant 0 : i32
    %dma_wait3A_42 = tpu.memref_slice %arg4[%dma_wait3A_40, %dma_wait3A_41] : memref<10000x16xf32, #tpu.memory_space<hbm>> -> memref<10000x16xf32, #tpu.memory_space<hbm>>
    tpu.wait_indirect_dma semaphore(%arg25 : memref<!tpu.dma_semaphore, #tpu.memory_space<semaphore_mem>>) src(%dma_wait3A_42 : memref<10000x16xf32, #tpu.memory_space<hbm>>) dst(%arg15 : memref<80x16xf32, #tpu.memory_space<vmem>>)
    %dma_wait3A_43 = arith.constant 0 : i32
    %dma_wait3A_44 = arith.constant 0 : i32
    %dma_wait3A_45 = tpu.memref_slice %arg4[%dma_wait3A_43, %dma_wait3A_44] : memref<10000x16xf32, #tpu.memory_space<hbm>> -> memref<10000x16xf32, #tpu.memory_space<hbm>>
    tpu.wait_indirect_dma semaphore(%arg26 : memref<!tpu.dma_semaphore, #tpu.memory_space<semaphore_mem>>) src(%dma_wait3A_45 : memref<10000x16xf32, #tpu.memory_space<hbm>>) dst(%arg16 : memref<80x16xf32, #tpu.memory_space<vmem>>)
    "tpu.region"() ({
      %run_scoped3A = tpu.sem_alloc : memref<!tpu.dma_semaphore, #tpu.memory_space<semaphore_mem>>
      %dma_start3A_46 = arith.constant 0 : i32
      %dma_start3A_47 = tpu.memref_slice %arg7[%add3A_34, %dma_start3A_46] : memref<320000x128xf32, #tpu.memory_space<hbm>> -> memref<80x128xf32, #tpu.memory_space<hbm>>
      %dma_start3A_48 = arith.constant 0 : i32
      %dma_start3A_49 = tpu.memref_slice %arg7[%add3A_34, %dma_start3A_48] : memref<320000x128xf32, #tpu.memory_space<hbm>> -> memref<80x128xf32, #tpu.memory_space<hbm>>
      tpu.enqueue_dma source(%arg13 : memref<80x128xf32, #tpu.memory_space<vmem>>) target(%dma_start3A_49 : memref<80x128xf32, #tpu.memory_space<hbm>>) target_semaphore(%run_scoped3A : memref<!tpu.dma_semaphore, #tpu.memory_space<semaphore_mem>>)
      %dma_wait3A_50 = arith.constant 0 : i32
      %dma_wait3A_51 = tpu.memref_slice %arg7[%add3A_34, %dma_wait3A_50] : memref<320000x128xf32, #tpu.memory_space<hbm>> -> memref<80x128xf32, #tpu.memory_space<hbm>>
      %dma_wait3A_52 = arith.constant 0 : i32
      %dma_wait3A_53 = tpu.memref_slice %arg7[%add3A_34, %dma_wait3A_52] : memref<320000x128xf32, #tpu.memory_space<hbm>> -> memref<80x128xf32, #tpu.memory_space<hbm>>
      tpu.wait_dma2 semaphore(%run_scoped3A : memref<!tpu.dma_semaphore, #tpu.memory_space<semaphore_mem>>) src(%arg13 : memref<80x128xf32, #tpu.memory_space<vmem>>) dst(%dma_wait3A_53 : memref<80x128xf32, #tpu.memory_space<hbm>>)
      tpu.yield
    }) : () -> ()
    "tpu.region"() ({
      %run_scoped3A = tpu.sem_alloc : memref<!tpu.dma_semaphore, #tpu.memory_space<semaphore_mem>>
      %dma_start3A_46 = arith.constant 0 : i32
      %dma_start3A_47 = tpu.memref_slice %arg8[%add3A_34, %dma_start3A_46] : memref<320000x128xf32, #tpu.memory_space<hbm>> -> memref<80x128xf32, #tpu.memory_space<hbm>>
      %dma_start3A_48 = arith.constant 0 : i32
      %dma_start3A_49 = tpu.memref_slice %arg8[%add3A_34, %dma_start3A_48] : memref<320000x128xf32, #tpu.memory_space<hbm>> -> memref<80x128xf32, #tpu.memory_space<hbm>>
      tpu.enqueue_dma source(%arg14 : memref<80x128xf32, #tpu.memory_space<vmem>>) target(%dma_start3A_49 : memref<80x128xf32, #tpu.memory_space<hbm>>) target_semaphore(%run_scoped3A : memref<!tpu.dma_semaphore, #tpu.memory_space<semaphore_mem>>)
      %dma_wait3A_50 = arith.constant 0 : i32
      %dma_wait3A_51 = tpu.memref_slice %arg8[%add3A_34, %dma_wait3A_50] : memref<320000x128xf32, #tpu.memory_space<hbm>> -> memref<80x128xf32, #tpu.memory_space<hbm>>
      %dma_wait3A_52 = arith.constant 0 : i32
      %dma_wait3A_53 = tpu.memref_slice %arg8[%add3A_34, %dma_wait3A_52] : memref<320000x128xf32, #tpu.memory_space<hbm>> -> memref<80x128xf32, #tpu.memory_space<hbm>>
      tpu.wait_dma2 semaphore(%run_scoped3A : memref<!tpu.dma_semaphore, #tpu.memory_space<semaphore_mem>>) src(%arg14 : memref<80x128xf32, #tpu.memory_space<vmem>>) dst(%dma_wait3A_53 : memref<80x128xf32, #tpu.memory_space<hbm>>)
      tpu.yield
    }) : () -> ()
    "tpu.region"() ({
      %run_scoped3A = tpu.sem_alloc : memref<!tpu.dma_semaphore, #tpu.memory_space<semaphore_mem>>
      %dma_start3A_46 = arith.constant 0 : i32
      %dma_start3A_47 = tpu.memref_slice %arg9[%add3A_34, %dma_start3A_46] : memref<320000x16xf32, #tpu.memory_space<hbm>> -> memref<80x16xf32, #tpu.memory_space<hbm>>
      %dma_start3A_48 = arith.constant 0 : i32
      %dma_start3A_49 = tpu.memref_slice %arg9[%add3A_34, %dma_start3A_48] : memref<320000x16xf32, #tpu.memory_space<hbm>> -> memref<80x16xf32, #tpu.memory_space<hbm>>
      tpu.enqueue_dma source(%arg15 : memref<80x16xf32, #tpu.memory_space<vmem>>) target(%dma_start3A_49 : memref<80x16xf32, #tpu.memory_space<hbm>>) target_semaphore(%run_scoped3A : memref<!tpu.dma_semaphore, #tpu.memory_space<semaphore_mem>>)
      %dma_wait3A_50 = arith.constant 0 : i32
      %dma_wait3A_51 = tpu.memref_slice %arg9[%add3A_34, %dma_wait3A_50] : memref<320000x16xf32, #tpu.memory_space<hbm>> -> memref<80x16xf32, #tpu.memory_space<hbm>>
      %dma_wait3A_52 = arith.constant 0 : i32
      %dma_wait3A_53 = tpu.memref_slice %arg9[%add3A_34, %dma_wait3A_52] : memref<320000x16xf32, #tpu.memory_space<hbm>> -> memref<80x16xf32, #tpu.memory_space<hbm>>
      tpu.wait_dma2 semaphore(%run_scoped3A : memref<!tpu.dma_semaphore, #tpu.memory_space<semaphore_mem>>) src(%arg15 : memref<80x16xf32, #tpu.memory_space<vmem>>) dst(%dma_wait3A_53 : memref<80x16xf32, #tpu.memory_space<hbm>>)
      tpu.yield
    }) : () -> ()
    "tpu.region"() ({
      %run_scoped3A = tpu.sem_alloc : memref<!tpu.dma_semaphore, #tpu.memory_space<semaphore_mem>>
      %dma_start3A_46 = arith.constant 0 : i32
      %dma_start3A_47 = tpu.memref_slice %arg10[%add3A_34, %dma_start3A_46] : memref<320000x16xf32, #tpu.memory_space<hbm>> -> memref<80x16xf32, #tpu.memory_space<hbm>>
      %dma_start3A_48 = arith.constant 0 : i32
      %dma_start3A_49 = tpu.memref_slice %arg10[%add3A_34, %dma_start3A_48] : memref<320000x16xf32, #tpu.memory_space<hbm>> -> memref<80x16xf32, #tpu.memory_space<hbm>>
      tpu.enqueue_dma source(%arg16 : memref<80x16xf32, #tpu.memory_space<vmem>>) target(%dma_start3A_49 : memref<80x16xf32, #tpu.memory_space<hbm>>) target_semaphore(%run_scoped3A : memref<!tpu.dma_semaphore, #tpu.memory_space<semaphore_mem>>)
      %dma_wait3A_50 = arith.constant 0 : i32
      %dma_wait3A_51 = tpu.memref_slice %arg10[%add3A_34, %dma_wait3A_50] : memref<320000x16xf32, #tpu.memory_space<hbm>> -> memref<80x16xf32, #tpu.memory_space<hbm>>
      %dma_wait3A_52 = arith.constant 0 : i32
      %dma_wait3A_53 = tpu.memref_slice %arg10[%add3A_34, %dma_wait3A_52] : memref<320000x16xf32, #tpu.memory_space<hbm>> -> memref<80x16xf32, #tpu.memory_space<hbm>>
      tpu.wait_dma2 semaphore(%run_scoped3A : memref<!tpu.dma_semaphore, #tpu.memory_space<semaphore_mem>>) src(%arg16 : memref<80x16xf32, #tpu.memory_space<vmem>>) dst(%dma_wait3A_53 : memref<80x16xf32, #tpu.memory_space<hbm>>)
      tpu.yield
    }) : () -> ()
    return
  }
}

#map = affine_map<(d0, d1) -> (0, 0)>
#map1 = affine_map<(d0, d1) -> (0)>
#map2 = affine_map<(d0, d1) -> (0, 0, 0)>
module attributes {stable_mosaic.version = 14 : i64} {
  func.func @_scatter_body(%arg0: i32, %arg1: i32, %arg2: memref<320000x128xf32, #tpu.memory_space<hbm>>, %arg3: memref<320000x16xf32, #tpu.memory_space<hbm>>, %arg4: memref<320000xi32, #tpu.memory_space<hbm>>, %arg5: memref<16x128xf32, #tpu.memory_space<hbm>>, %arg6: memref<16x16xf32, #tpu.memory_space<hbm>>, %arg7: memref<2x10000x128xf32, #tpu.memory_space<hbm>>, %arg8: memref<2x10000x16xf32, #tpu.memory_space<hbm>>, %arg9: memref<80xi32, #tpu.memory_space<vmem>>, %arg10: memref<80x128xf32, #tpu.memory_space<vmem>>, %arg11: memref<80x16xf32, #tpu.memory_space<vmem>>, %arg12: memref<16x128xf32, #tpu.memory_space<vmem>>, %arg13: memref<16x16xf32, #tpu.memory_space<vmem>>, %arg14: memref<10000x128xf32, #tpu.memory_space<vmem_shared>>, %arg15: memref<10000x16xf32, #tpu.memory_space<vmem_shared>>) attributes {dimension_semantics = [#tpu.dimension_semantics<core_parallel>, #tpu.dimension_semantics<subcore_parallel>], iteration_bounds = array<i64: 2, 16>, scalar_prefetch = 0 : i64, scratch_operands = 7 : i64, tpu.core_type = #tpu.core_type<sc_vector_subcore>, window_params = [{transform_indices = #map}, {transform_indices = #map}, {transform_indices = #map1}, {transform_indices = #map}, {transform_indices = #map}, {transform_indices = #map2}, {transform_indices = #map2}]} {
    %mul3A = arith.constant 2 : i32
    %mul3A_0 = arith.muli %arg1, %mul3A : i32
    %add3A = arith.addi %mul3A_0, %arg0 : i32
    %mul3A_1 = arith.constant 10000 : i32
    %mul3A_2 = arith.muli %add3A, %mul3A_1 : i32
    %mul3A_3 = arith.constant 624 : i32
    %mul3A_4 = arith.muli %arg1, %mul3A_3 : i32
    %eq3A = arith.constant 15 : i32
    %eq3A_5 = arith.cmpi eq, %arg1, %eq3A : i32
    %jit3A = arith.constant 1 : i32
    %jit3A_6 = arith.constant 0 : i32
    %select_n3A = arith.select %eq3A_5, %jit3A, %jit3A_6 : i32
    %add3A_7 = arith.constant 39 : i32
    %add3A_8 = arith.addi %add3A_7, %select_n3A : i32
    "tpu.region"() ({
      %run_scoped3A = tpu.sem_alloc : memref<!tpu.dma_semaphore, #tpu.memory_space<semaphore_mem>>
      tpu.enqueue_dma source(%arg5 : memref<16x128xf32, #tpu.memory_space<hbm>>) target(%arg12 : memref<16x128xf32, #tpu.memory_space<vmem>>) target_semaphore(%run_scoped3A : memref<!tpu.dma_semaphore, #tpu.memory_space<semaphore_mem>>)
      tpu.wait_dma2 semaphore(%run_scoped3A : memref<!tpu.dma_semaphore, #tpu.memory_space<semaphore_mem>>) src(%arg5 : memref<16x128xf32, #tpu.memory_space<hbm>>) dst(%arg12 : memref<16x128xf32, #tpu.memory_space<vmem>>)
      tpu.yield
    }) : () -> ()
    "tpu.region"() ({
      %run_scoped3A = tpu.sem_alloc : memref<!tpu.dma_semaphore, #tpu.memory_space<semaphore_mem>>
      tpu.enqueue_dma source(%arg6 : memref<16x16xf32, #tpu.memory_space<hbm>>) target(%arg13 : memref<16x16xf32, #tpu.memory_space<vmem>>) target_semaphore(%run_scoped3A : memref<!tpu.dma_semaphore, #tpu.memory_space<semaphore_mem>>)
      tpu.wait_dma2 semaphore(%run_scoped3A : memref<!tpu.dma_semaphore, #tpu.memory_space<semaphore_mem>>) src(%arg6 : memref<16x16xf32, #tpu.memory_space<hbm>>) dst(%arg13 : memref<16x16xf32, #tpu.memory_space<vmem>>)
      tpu.yield
    }) : () -> ()
    %while3A = arith.constant 0 : i32
    %while3A_9 = arith.constant 0 : i32
    %while3A_10 = arith.subi %add3A_8, %while3A_9 : i32
    %while3A_11 = arith.addi %while3A_9, %while3A_10 : i32
    %while3A_12 = arith.constant 1 : i32
    %while3A_13 = arith.divsi %while3A_10, %while3A_12 : i32
    %while3A_14 = arith.muli %while3A_13, %while3A_12 : i32
    %while3A_15 = arith.addi %while3A_9, %while3A_14 : i32
    %while3A_16 = arith.constant 1 : i32
    scf.for %while3A_34 = %while3A_9 to %while3A_15 step %while3A_16  : i32 {
      %mul3A_35 = arith.constant 16 : i32
      %mul3A_36 = arith.muli %while3A_34, %mul3A_35 : i32
      %add3A_37 = arith.addi %mul3A_4, %mul3A_36 : i32
      "tpu.region"() ({
        %run_scoped3A = tpu.sem_alloc : memref<!tpu.dma_semaphore, #tpu.memory_space<semaphore_mem>>
        %dma_start3A = arith.constant 0 : i32
        %dma_start3A_41 = tpu.memref_slice %arg14[%add3A_37, %dma_start3A] : memref<10000x128xf32, #tpu.memory_space<vmem_shared>> -> memref<16x128xf32, #tpu.memory_space<vmem_shared>>
        %dma_start3A_42 = arith.constant 0 : i32
        %dma_start3A_43 = tpu.memref_slice %arg14[%add3A_37, %dma_start3A_42] : memref<10000x128xf32, #tpu.memory_space<vmem_shared>> -> memref<16x128xf32, #tpu.memory_space<vmem_shared>>
        tpu.enqueue_dma source(%arg12 : memref<16x128xf32, #tpu.memory_space<vmem>>) target(%dma_start3A_43 : memref<16x128xf32, #tpu.memory_space<vmem_shared>>) target_semaphore(%run_scoped3A : memref<!tpu.dma_semaphore, #tpu.memory_space<semaphore_mem>>)
        %dma_wait3A = arith.constant 0 : i32
        %dma_wait3A_44 = tpu.memref_slice %arg14[%add3A_37, %dma_wait3A] : memref<10000x128xf32, #tpu.memory_space<vmem_shared>> -> memref<16x128xf32, #tpu.memory_space<vmem_shared>>
        %dma_wait3A_45 = arith.constant 0 : i32
        %dma_wait3A_46 = tpu.memref_slice %arg14[%add3A_37, %dma_wait3A_45] : memref<10000x128xf32, #tpu.memory_space<vmem_shared>> -> memref<16x128xf32, #tpu.memory_space<vmem_shared>>
        tpu.wait_dma2 semaphore(%run_scoped3A : memref<!tpu.dma_semaphore, #tpu.memory_space<semaphore_mem>>) src(%arg12 : memref<16x128xf32, #tpu.memory_space<vmem>>) dst(%dma_wait3A_46 : memref<16x128xf32, #tpu.memory_space<vmem_shared>>)
        tpu.yield
      }) : () -> ()
      %mul3A_38 = arith.constant 16 : i32
      %mul3A_39 = arith.muli %while3A_34, %mul3A_38 : i32
      %add3A_40 = arith.addi %mul3A_4, %mul3A_39 : i32
      "tpu.region"() ({
        %run_scoped3A = tpu.sem_alloc : memref<!tpu.dma_semaphore, #tpu.memory_space<semaphore_mem>>
        %dma_start3A = arith.constant 0 : i32
        %dma_start3A_41 = tpu.memref_slice %arg15[%add3A_40, %dma_start3A] : memref<10000x16xf32, #tpu.memory_space<vmem_shared>> -> memref<16x16xf32, #tpu.memory_space<vmem_shared>>
        %dma_start3A_42 = arith.constant 0 : i32
        %dma_start3A_43 = tpu.memref_slice %arg15[%add3A_40, %dma_start3A_42] : memref<10000x16xf32, #tpu.memory_space<vmem_shared>> -> memref<16x16xf32, #tpu.memory_space<vmem_shared>>
        tpu.enqueue_dma source(%arg13 : memref<16x16xf32, #tpu.memory_space<vmem>>) target(%dma_start3A_43 : memref<16x16xf32, #tpu.memory_space<vmem_shared>>) target_semaphore(%run_scoped3A : memref<!tpu.dma_semaphore, #tpu.memory_space<semaphore_mem>>)
        %dma_wait3A = arith.constant 0 : i32
        %dma_wait3A_44 = tpu.memref_slice %arg15[%add3A_40, %dma_wait3A] : memref<10000x16xf32, #tpu.memory_space<vmem_shared>> -> memref<16x16xf32, #tpu.memory_space<vmem_shared>>
        %dma_wait3A_45 = arith.constant 0 : i32
        %dma_wait3A_46 = tpu.memref_slice %arg15[%add3A_40, %dma_wait3A_45] : memref<10000x16xf32, #tpu.memory_space<vmem_shared>> -> memref<16x16xf32, #tpu.memory_space<vmem_shared>>
        tpu.wait_dma2 semaphore(%run_scoped3A : memref<!tpu.dma_semaphore, #tpu.memory_space<semaphore_mem>>) src(%arg13 : memref<16x16xf32, #tpu.memory_space<vmem>>) dst(%dma_wait3A_46 : memref<16x16xf32, #tpu.memory_space<vmem_shared>>)
        tpu.yield
      }) : () -> ()
    }
    %while3A_17 = arith.constant 1 : i32
    scf.for %while3A_34 = %while3A_15 to %while3A_11 step %while3A_17  : i32 {
      %mul3A_35 = arith.constant 16 : i32
      %mul3A_36 = arith.muli %while3A_34, %mul3A_35 : i32
      %add3A_37 = arith.addi %mul3A_4, %mul3A_36 : i32
      "tpu.region"() ({
        %run_scoped3A = tpu.sem_alloc : memref<!tpu.dma_semaphore, #tpu.memory_space<semaphore_mem>>
        %dma_start3A = arith.constant 0 : i32
        %dma_start3A_41 = tpu.memref_slice %arg14[%add3A_37, %dma_start3A] : memref<10000x128xf32, #tpu.memory_space<vmem_shared>> -> memref<16x128xf32, #tpu.memory_space<vmem_shared>>
        %dma_start3A_42 = arith.constant 0 : i32
        %dma_start3A_43 = tpu.memref_slice %arg14[%add3A_37, %dma_start3A_42] : memref<10000x128xf32, #tpu.memory_space<vmem_shared>> -> memref<16x128xf32, #tpu.memory_space<vmem_shared>>
        tpu.enqueue_dma source(%arg12 : memref<16x128xf32, #tpu.memory_space<vmem>>) target(%dma_start3A_43 : memref<16x128xf32, #tpu.memory_space<vmem_shared>>) target_semaphore(%run_scoped3A : memref<!tpu.dma_semaphore, #tpu.memory_space<semaphore_mem>>)
        %dma_wait3A = arith.constant 0 : i32
        %dma_wait3A_44 = tpu.memref_slice %arg14[%add3A_37, %dma_wait3A] : memref<10000x128xf32, #tpu.memory_space<vmem_shared>> -> memref<16x128xf32, #tpu.memory_space<vmem_shared>>
        %dma_wait3A_45 = arith.constant 0 : i32
        %dma_wait3A_46 = tpu.memref_slice %arg14[%add3A_37, %dma_wait3A_45] : memref<10000x128xf32, #tpu.memory_space<vmem_shared>> -> memref<16x128xf32, #tpu.memory_space<vmem_shared>>
        tpu.wait_dma2 semaphore(%run_scoped3A : memref<!tpu.dma_semaphore, #tpu.memory_space<semaphore_mem>>) src(%arg12 : memref<16x128xf32, #tpu.memory_space<vmem>>) dst(%dma_wait3A_46 : memref<16x128xf32, #tpu.memory_space<vmem_shared>>)
        tpu.yield
      }) : () -> ()
      %mul3A_38 = arith.constant 16 : i32
      %mul3A_39 = arith.muli %while3A_34, %mul3A_38 : i32
      %add3A_40 = arith.addi %mul3A_4, %mul3A_39 : i32
      "tpu.region"() ({
        %run_scoped3A = tpu.sem_alloc : memref<!tpu.dma_semaphore, #tpu.memory_space<semaphore_mem>>
        %dma_start3A = arith.constant 0 : i32
        %dma_start3A_41 = tpu.memref_slice %arg15[%add3A_40, %dma_start3A] : memref<10000x16xf32, #tpu.memory_space<vmem_shared>> -> memref<16x16xf32, #tpu.memory_space<vmem_shared>>
        %dma_start3A_42 = arith.constant 0 : i32
        %dma_start3A_43 = tpu.memref_slice %arg15[%add3A_40, %dma_start3A_42] : memref<10000x16xf32, #tpu.memory_space<vmem_shared>> -> memref<16x16xf32, #tpu.memory_space<vmem_shared>>
        tpu.enqueue_dma source(%arg13 : memref<16x16xf32, #tpu.memory_space<vmem>>) target(%dma_start3A_43 : memref<16x16xf32, #tpu.memory_space<vmem_shared>>) target_semaphore(%run_scoped3A : memref<!tpu.dma_semaphore, #tpu.memory_space<semaphore_mem>>)
        %dma_wait3A = arith.constant 0 : i32
        %dma_wait3A_44 = tpu.memref_slice %arg15[%add3A_40, %dma_wait3A] : memref<10000x16xf32, #tpu.memory_space<vmem_shared>> -> memref<16x16xf32, #tpu.memory_space<vmem_shared>>
        %dma_wait3A_45 = arith.constant 0 : i32
        %dma_wait3A_46 = tpu.memref_slice %arg15[%add3A_40, %dma_wait3A_45] : memref<10000x16xf32, #tpu.memory_space<vmem_shared>> -> memref<16x16xf32, #tpu.memory_space<vmem_shared>>
        tpu.wait_dma2 semaphore(%run_scoped3A : memref<!tpu.dma_semaphore, #tpu.memory_space<semaphore_mem>>) src(%arg13 : memref<16x16xf32, #tpu.memory_space<vmem>>) dst(%dma_wait3A_46 : memref<16x16xf32, #tpu.memory_space<vmem_shared>>)
        tpu.yield
      }) : () -> ()
    }
    %barrier3A = arith.constant 0 : index
    tpu.barrier barrier_id(%barrier3A)
    %scan3A = arith.constant 0 : i32
    %scan3A_18 = arith.constant 0 : i32
    %scan3A_19 = arith.constant 125 : i32
    %scan3A_20 = arith.addi %scan3A_18, %scan3A_19 : i32
    %scan3A_21 = arith.constant 1 : i32
    scf.for %scan3A_34 = %scan3A_18 to %scan3A_20 step %scan3A_21  : i32 {
      %mul3A_35 = arith.constant 80 : i32
      %mul3A_36 = arith.muli %scan3A_34, %mul3A_35 : i32
      %add3A_37 = arith.addi %mul3A_2, %mul3A_36 : i32
      "tpu.region"() ({
        %run_scoped3A = tpu.sem_alloc : memref<!tpu.dma_semaphore, #tpu.memory_space<semaphore_mem>>
        %dma_start3A = tpu.memref_slice %arg4[%add3A_37] : memref<320000xi32, #tpu.memory_space<hbm>> -> memref<80xi32, #tpu.memory_space<hbm>>
        %dma_start3A_38 = tpu.memref_slice %arg4[%add3A_37] : memref<320000xi32, #tpu.memory_space<hbm>> -> memref<80xi32, #tpu.memory_space<hbm>>
        tpu.enqueue_dma source(%dma_start3A_38 : memref<80xi32, #tpu.memory_space<hbm>>) target(%arg9 : memref<80xi32, #tpu.memory_space<vmem>>) target_semaphore(%run_scoped3A : memref<!tpu.dma_semaphore, #tpu.memory_space<semaphore_mem>>)
        %dma_wait3A = tpu.memref_slice %arg4[%add3A_37] : memref<320000xi32, #tpu.memory_space<hbm>> -> memref<80xi32, #tpu.memory_space<hbm>>
        %dma_wait3A_39 = tpu.memref_slice %arg4[%add3A_37] : memref<320000xi32, #tpu.memory_space<hbm>> -> memref<80xi32, #tpu.memory_space<hbm>>
        tpu.wait_dma2 semaphore(%run_scoped3A : memref<!tpu.dma_semaphore, #tpu.memory_space<semaphore_mem>>) src(%dma_wait3A_39 : memref<80xi32, #tpu.memory_space<hbm>>) dst(%arg9 : memref<80xi32, #tpu.memory_space<vmem>>)
        tpu.yield
      }) : () -> ()
      "tpu.region"() ({
        %run_scoped3A = tpu.sem_alloc : memref<!tpu.dma_semaphore, #tpu.memory_space<semaphore_mem>>
        %dma_start3A = arith.constant 0 : i32
        %dma_start3A_38 = tpu.memref_slice %arg2[%add3A_37, %dma_start3A] : memref<320000x128xf32, #tpu.memory_space<hbm>> -> memref<80x128xf32, #tpu.memory_space<hbm>>
        %dma_start3A_39 = arith.constant 0 : i32
        %dma_start3A_40 = tpu.memref_slice %arg2[%add3A_37, %dma_start3A_39] : memref<320000x128xf32, #tpu.memory_space<hbm>> -> memref<80x128xf32, #tpu.memory_space<hbm>>
        tpu.enqueue_dma source(%dma_start3A_40 : memref<80x128xf32, #tpu.memory_space<hbm>>) target(%arg10 : memref<80x128xf32, #tpu.memory_space<vmem>>) target_semaphore(%run_scoped3A : memref<!tpu.dma_semaphore, #tpu.memory_space<semaphore_mem>>)
        %dma_wait3A = arith.constant 0 : i32
        %dma_wait3A_41 = tpu.memref_slice %arg2[%add3A_37, %dma_wait3A] : memref<320000x128xf32, #tpu.memory_space<hbm>> -> memref<80x128xf32, #tpu.memory_space<hbm>>
        %dma_wait3A_42 = arith.constant 0 : i32
        %dma_wait3A_43 = tpu.memref_slice %arg2[%add3A_37, %dma_wait3A_42] : memref<320000x128xf32, #tpu.memory_space<hbm>> -> memref<80x128xf32, #tpu.memory_space<hbm>>
        tpu.wait_dma2 semaphore(%run_scoped3A : memref<!tpu.dma_semaphore, #tpu.memory_space<semaphore_mem>>) src(%dma_wait3A_43 : memref<80x128xf32, #tpu.memory_space<hbm>>) dst(%arg10 : memref<80x128xf32, #tpu.memory_space<vmem>>)
        tpu.yield
      }) : () -> ()
      "tpu.region"() ({
        %run_scoped3A = tpu.sem_alloc : memref<!tpu.dma_semaphore, #tpu.memory_space<semaphore_mem>>
        %dma_start3A = arith.constant 0 : i32
        %dma_start3A_38 = tpu.memref_slice %arg3[%add3A_37, %dma_start3A] : memref<320000x16xf32, #tpu.memory_space<hbm>> -> memref<80x16xf32, #tpu.memory_space<hbm>>
        %dma_start3A_39 = arith.constant 0 : i32
        %dma_start3A_40 = tpu.memref_slice %arg3[%add3A_37, %dma_start3A_39] : memref<320000x16xf32, #tpu.memory_space<hbm>> -> memref<80x16xf32, #tpu.memory_space<hbm>>
        tpu.enqueue_dma source(%dma_start3A_40 : memref<80x16xf32, #tpu.memory_space<hbm>>) target(%arg11 : memref<80x16xf32, #tpu.memory_space<vmem>>) target_semaphore(%run_scoped3A : memref<!tpu.dma_semaphore, #tpu.memory_space<semaphore_mem>>)
        %dma_wait3A = arith.constant 0 : i32
        %dma_wait3A_41 = tpu.memref_slice %arg3[%add3A_37, %dma_wait3A] : memref<320000x16xf32, #tpu.memory_space<hbm>> -> memref<80x16xf32, #tpu.memory_space<hbm>>
        %dma_wait3A_42 = arith.constant 0 : i32
        %dma_wait3A_43 = tpu.memref_slice %arg3[%add3A_37, %dma_wait3A_42] : memref<320000x16xf32, #tpu.memory_space<hbm>> -> memref<80x16xf32, #tpu.memory_space<hbm>>
        tpu.wait_dma2 semaphore(%run_scoped3A : memref<!tpu.dma_semaphore, #tpu.memory_space<semaphore_mem>>) src(%dma_wait3A_43 : memref<80x16xf32, #tpu.memory_space<hbm>>) dst(%arg11 : memref<80x16xf32, #tpu.memory_space<vmem>>)
        tpu.yield
      }) : () -> ()
      "tpu.region"() ({
        %run_scoped3A = tpu.sem_alloc : memref<!tpu.dma_semaphore, #tpu.memory_space<semaphore_mem>>
        %dma_start3A = arith.constant 0 : i32
        %dma_start3A_38 = arith.constant 0 : i32
        %dma_start3A_39 = tpu.memref_slice %arg14[%dma_start3A, %dma_start3A_38] : memref<10000x128xf32, #tpu.memory_space<vmem_shared>> -> memref<10000x128xf32, #tpu.memory_space<vmem_shared>>
        tpu.enqueue_indirect_dma source(%arg10 : memref<80x128xf32, #tpu.memory_space<vmem>>) target(%dma_start3A_39 : memref<10000x128xf32, #tpu.memory_space<vmem_shared>>) offsets(%arg9 : memref<80xi32, #tpu.memory_space<vmem>>) semaphore(%run_scoped3A : memref<!tpu.dma_semaphore, #tpu.memory_space<semaphore_mem>>) {add = true}
        %dma_wait3A = arith.constant 0 : i32
        %dma_wait3A_40 = arith.constant 0 : i32
        %dma_wait3A_41 = tpu.memref_slice %arg14[%dma_wait3A, %dma_wait3A_40] : memref<10000x128xf32, #tpu.memory_space<vmem_shared>> -> memref<10000x128xf32, #tpu.memory_space<vmem_shared>>
        tpu.wait_indirect_dma semaphore(%run_scoped3A : memref<!tpu.dma_semaphore, #tpu.memory_space<semaphore_mem>>) src(%arg10 : memref<80x128xf32, #tpu.memory_space<vmem>>) dst(%dma_wait3A_41 : memref<10000x128xf32, #tpu.memory_space<vmem_shared>>)
        tpu.yield
      }) : () -> ()
      "tpu.region"() ({
        %run_scoped3A = tpu.sem_alloc : memref<!tpu.dma_semaphore, #tpu.memory_space<semaphore_mem>>
        %dma_start3A = arith.constant 0 : i32
        %dma_start3A_38 = arith.constant 0 : i32
        %dma_start3A_39 = tpu.memref_slice %arg15[%dma_start3A, %dma_start3A_38] : memref<10000x16xf32, #tpu.memory_space<vmem_shared>> -> memref<10000x16xf32, #tpu.memory_space<vmem_shared>>
        tpu.enqueue_indirect_dma source(%arg11 : memref<80x16xf32, #tpu.memory_space<vmem>>) target(%dma_start3A_39 : memref<10000x16xf32, #tpu.memory_space<vmem_shared>>) offsets(%arg9 : memref<80xi32, #tpu.memory_space<vmem>>) semaphore(%run_scoped3A : memref<!tpu.dma_semaphore, #tpu.memory_space<semaphore_mem>>) {add = true}
        %dma_wait3A = arith.constant 0 : i32
        %dma_wait3A_40 = arith.constant 0 : i32
        %dma_wait3A_41 = tpu.memref_slice %arg15[%dma_wait3A, %dma_wait3A_40] : memref<10000x16xf32, #tpu.memory_space<vmem_shared>> -> memref<10000x16xf32, #tpu.memory_space<vmem_shared>>
        tpu.wait_indirect_dma semaphore(%run_scoped3A : memref<!tpu.dma_semaphore, #tpu.memory_space<semaphore_mem>>) src(%arg11 : memref<80x16xf32, #tpu.memory_space<vmem>>) dst(%dma_wait3A_41 : memref<10000x16xf32, #tpu.memory_space<vmem_shared>>)
        tpu.yield
      }) : () -> ()
    }
    %scan3A_22 = arith.constant 125 : i32
    %barrier3A_23 = arith.constant 0 : index
    tpu.barrier barrier_id(%barrier3A_23)
    %while3A_24 = arith.constant 0 : i32
    %while3A_25 = arith.constant 0 : i32
    %while3A_26 = arith.subi %add3A_8, %while3A_25 : i32
    %while3A_27 = arith.addi %while3A_25, %while3A_26 : i32
    %while3A_28 = arith.constant 1 : i32
    %while3A_29 = arith.divsi %while3A_26, %while3A_28 : i32
    %while3A_30 = arith.muli %while3A_29, %while3A_28 : i32
    %while3A_31 = arith.addi %while3A_25, %while3A_30 : i32
    %while3A_32 = arith.constant 1 : i32
    scf.for %while3A_34 = %while3A_25 to %while3A_31 step %while3A_32  : i32 {
      %mul3A_35 = arith.constant 16 : i32
      %mul3A_36 = arith.muli %while3A_34, %mul3A_35 : i32
      %add3A_37 = arith.addi %mul3A_4, %mul3A_36 : i32
      "tpu.region"() ({
        %run_scoped3A = tpu.sem_alloc : memref<!tpu.dma_semaphore, #tpu.memory_space<semaphore_mem>>
        %dma_start3A = arith.constant 0 : i32
        %dma_start3A_38 = tpu.memref_slice %arg14[%add3A_37, %dma_start3A] : memref<10000x128xf32, #tpu.memory_space<vmem_shared>> -> memref<16x128xf32, #tpu.memory_space<vmem_shared>>
        %dma_start3A_39 = arith.constant 0 : i32
        %dma_start3A_40 = tpu.memref_slice %arg14[%add3A_37, %dma_start3A_39] : memref<10000x128xf32, #tpu.memory_space<vmem_shared>> -> memref<16x128xf32, #tpu.memory_space<vmem_shared>>
        tpu.enqueue_dma source(%dma_start3A_40 : memref<16x128xf32, #tpu.memory_space<vmem_shared>>) target(%arg12 : memref<16x128xf32, #tpu.memory_space<vmem>>) target_semaphore(%run_scoped3A : memref<!tpu.dma_semaphore, #tpu.memory_space<semaphore_mem>>)
        %dma_wait3A = arith.constant 0 : i32
        %dma_wait3A_41 = tpu.memref_slice %arg14[%add3A_37, %dma_wait3A] : memref<10000x128xf32, #tpu.memory_space<vmem_shared>> -> memref<16x128xf32, #tpu.memory_space<vmem_shared>>
        %dma_wait3A_42 = arith.constant 0 : i32
        %dma_wait3A_43 = tpu.memref_slice %arg14[%add3A_37, %dma_wait3A_42] : memref<10000x128xf32, #tpu.memory_space<vmem_shared>> -> memref<16x128xf32, #tpu.memory_space<vmem_shared>>
        tpu.wait_dma2 semaphore(%run_scoped3A : memref<!tpu.dma_semaphore, #tpu.memory_space<semaphore_mem>>) src(%dma_wait3A_43 : memref<16x128xf32, #tpu.memory_space<vmem_shared>>) dst(%arg12 : memref<16x128xf32, #tpu.memory_space<vmem>>)
        tpu.yield
      }) : () -> ()
      "tpu.region"() ({
        %run_scoped3A = tpu.sem_alloc : memref<!tpu.dma_semaphore, #tpu.memory_space<semaphore_mem>>
        %dma_start3A = arith.constant 0 : i32
        %dma_start3A_38 = tpu.memref_slice %arg7[%arg0, %add3A_37, %dma_start3A] : memref<2x10000x128xf32, #tpu.memory_space<hbm>> -> memref<1x16x128xf32, #tpu.memory_space<hbm>>
        %dma_start3A_39 = tpu.memref_squeeze %dma_start3A_38 : memref<1x16x128xf32, #tpu.memory_space<hbm>> -> memref<16x128xf32, #tpu.memory_space<hbm>>
        %dma_start3A_40 = arith.constant 0 : i32
        %dma_start3A_41 = tpu.memref_slice %arg7[%arg0, %add3A_37, %dma_start3A_40] : memref<2x10000x128xf32, #tpu.memory_space<hbm>> -> memref<1x16x128xf32, #tpu.memory_space<hbm>>
        %dma_start3A_42 = tpu.memref_squeeze %dma_start3A_41 : memref<1x16x128xf32, #tpu.memory_space<hbm>> -> memref<16x128xf32, #tpu.memory_space<hbm>>
        tpu.enqueue_dma source(%arg12 : memref<16x128xf32, #tpu.memory_space<vmem>>) target(%dma_start3A_42 : memref<16x128xf32, #tpu.memory_space<hbm>>) target_semaphore(%run_scoped3A : memref<!tpu.dma_semaphore, #tpu.memory_space<semaphore_mem>>)
        %dma_wait3A = arith.constant 0 : i32
        %dma_wait3A_43 = tpu.memref_slice %arg7[%arg0, %add3A_37, %dma_wait3A] : memref<2x10000x128xf32, #tpu.memory_space<hbm>> -> memref<1x16x128xf32, #tpu.memory_space<hbm>>
        %dma_wait3A_44 = tpu.memref_squeeze %dma_wait3A_43 : memref<1x16x128xf32, #tpu.memory_space<hbm>> -> memref<16x128xf32, #tpu.memory_space<hbm>>
        %dma_wait3A_45 = arith.constant 0 : i32
        %dma_wait3A_46 = tpu.memref_slice %arg7[%arg0, %add3A_37, %dma_wait3A_45] : memref<2x10000x128xf32, #tpu.memory_space<hbm>> -> memref<1x16x128xf32, #tpu.memory_space<hbm>>
        %dma_wait3A_47 = tpu.memref_squeeze %dma_wait3A_46 : memref<1x16x128xf32, #tpu.memory_space<hbm>> -> memref<16x128xf32, #tpu.memory_space<hbm>>
        tpu.wait_dma2 semaphore(%run_scoped3A : memref<!tpu.dma_semaphore, #tpu.memory_space<semaphore_mem>>) src(%arg12 : memref<16x128xf32, #tpu.memory_space<vmem>>) dst(%dma_wait3A_47 : memref<16x128xf32, #tpu.memory_space<hbm>>)
        tpu.yield
      }) : () -> ()
      "tpu.region"() ({
        %run_scoped3A = tpu.sem_alloc : memref<!tpu.dma_semaphore, #tpu.memory_space<semaphore_mem>>
        %dma_start3A = arith.constant 0 : i32
        %dma_start3A_38 = tpu.memref_slice %arg15[%add3A_37, %dma_start3A] : memref<10000x16xf32, #tpu.memory_space<vmem_shared>> -> memref<16x16xf32, #tpu.memory_space<vmem_shared>>
        %dma_start3A_39 = arith.constant 0 : i32
        %dma_start3A_40 = tpu.memref_slice %arg15[%add3A_37, %dma_start3A_39] : memref<10000x16xf32, #tpu.memory_space<vmem_shared>> -> memref<16x16xf32, #tpu.memory_space<vmem_shared>>
        tpu.enqueue_dma source(%dma_start3A_40 : memref<16x16xf32, #tpu.memory_space<vmem_shared>>) target(%arg13 : memref<16x16xf32, #tpu.memory_space<vmem>>) target_semaphore(%run_scoped3A : memref<!tpu.dma_semaphore, #tpu.memory_space<semaphore_mem>>)
        %dma_wait3A = arith.constant 0 : i32
        %dma_wait3A_41 = tpu.memref_slice %arg15[%add3A_37, %dma_wait3A] : memref<10000x16xf32, #tpu.memory_space<vmem_shared>> -> memref<16x16xf32, #tpu.memory_space<vmem_shared>>
        %dma_wait3A_42 = arith.constant 0 : i32
        %dma_wait3A_43 = tpu.memref_slice %arg15[%add3A_37, %dma_wait3A_42] : memref<10000x16xf32, #tpu.memory_space<vmem_shared>> -> memref<16x16xf32, #tpu.memory_space<vmem_shared>>
        tpu.wait_dma2 semaphore(%run_scoped3A : memref<!tpu.dma_semaphore, #tpu.memory_space<semaphore_mem>>) src(%dma_wait3A_43 : memref<16x16xf32, #tpu.memory_space<vmem_shared>>) dst(%arg13 : memref<16x16xf32, #tpu.memory_space<vmem>>)
        tpu.yield
      }) : () -> ()
      "tpu.region"() ({
        %run_scoped3A = tpu.sem_alloc : memref<!tpu.dma_semaphore, #tpu.memory_space<semaphore_mem>>
        %dma_start3A = arith.constant 0 : i32
        %dma_start3A_38 = tpu.memref_slice %arg8[%arg0, %add3A_37, %dma_start3A] : memref<2x10000x16xf32, #tpu.memory_space<hbm>> -> memref<1x16x16xf32, #tpu.memory_space<hbm>>
        %dma_start3A_39 = tpu.memref_squeeze %dma_start3A_38 : memref<1x16x16xf32, #tpu.memory_space<hbm>> -> memref<16x16xf32, #tpu.memory_space<hbm>>
        %dma_start3A_40 = arith.constant 0 : i32
        %dma_start3A_41 = tpu.memref_slice %arg8[%arg0, %add3A_37, %dma_start3A_40] : memref<2x10000x16xf32, #tpu.memory_space<hbm>> -> memref<1x16x16xf32, #tpu.memory_space<hbm>>
        %dma_start3A_42 = tpu.memref_squeeze %dma_start3A_41 : memref<1x16x16xf32, #tpu.memory_space<hbm>> -> memref<16x16xf32, #tpu.memory_space<hbm>>
        tpu.enqueue_dma source(%arg13 : memref<16x16xf32, #tpu.memory_space<vmem>>) target(%dma_start3A_42 : memref<16x16xf32, #tpu.memory_space<hbm>>) target_semaphore(%run_scoped3A : memref<!tpu.dma_semaphore, #tpu.memory_space<semaphore_mem>>)
        %dma_wait3A = arith.constant 0 : i32
        %dma_wait3A_43 = tpu.memref_slice %arg8[%arg0, %add3A_37, %dma_wait3A] : memref<2x10000x16xf32, #tpu.memory_space<hbm>> -> memref<1x16x16xf32, #tpu.memory_space<hbm>>
        %dma_wait3A_44 = tpu.memref_squeeze %dma_wait3A_43 : memref<1x16x16xf32, #tpu.memory_space<hbm>> -> memref<16x16xf32, #tpu.memory_space<hbm>>
        %dma_wait3A_45 = arith.constant 0 : i32
        %dma_wait3A_46 = tpu.memref_slice %arg8[%arg0, %add3A_37, %dma_wait3A_45] : memref<2x10000x16xf32, #tpu.memory_space<hbm>> -> memref<1x16x16xf32, #tpu.memory_space<hbm>>
        %dma_wait3A_47 = tpu.memref_squeeze %dma_wait3A_46 : memref<1x16x16xf32, #tpu.memory_space<hbm>> -> memref<16x16xf32, #tpu.memory_space<hbm>>
        tpu.wait_dma2 semaphore(%run_scoped3A : memref<!tpu.dma_semaphore, #tpu.memory_space<semaphore_mem>>) src(%arg13 : memref<16x16xf32, #tpu.memory_space<vmem>>) dst(%dma_wait3A_47 : memref<16x16xf32, #tpu.memory_space<hbm>>)
        tpu.yield
      }) : () -> ()
    }
    %while3A_33 = arith.constant 1 : i32
    scf.for %while3A_34 = %while3A_31 to %while3A_27 step %while3A_33  : i32 {
      %mul3A_35 = arith.constant 16 : i32
      %mul3A_36 = arith.muli %while3A_34, %mul3A_35 : i32
      %add3A_37 = arith.addi %mul3A_4, %mul3A_36 : i32
      "tpu.region"() ({
        %run_scoped3A = tpu.sem_alloc : memref<!tpu.dma_semaphore, #tpu.memory_space<semaphore_mem>>
        %dma_start3A = arith.constant 0 : i32
        %dma_start3A_38 = tpu.memref_slice %arg14[%add3A_37, %dma_start3A] : memref<10000x128xf32, #tpu.memory_space<vmem_shared>> -> memref<16x128xf32, #tpu.memory_space<vmem_shared>>
        %dma_start3A_39 = arith.constant 0 : i32
        %dma_start3A_40 = tpu.memref_slice %arg14[%add3A_37, %dma_start3A_39] : memref<10000x128xf32, #tpu.memory_space<vmem_shared>> -> memref<16x128xf32, #tpu.memory_space<vmem_shared>>
        tpu.enqueue_dma source(%dma_start3A_40 : memref<16x128xf32, #tpu.memory_space<vmem_shared>>) target(%arg12 : memref<16x128xf32, #tpu.memory_space<vmem>>) target_semaphore(%run_scoped3A : memref<!tpu.dma_semaphore, #tpu.memory_space<semaphore_mem>>)
        %dma_wait3A = arith.constant 0 : i32
        %dma_wait3A_41 = tpu.memref_slice %arg14[%add3A_37, %dma_wait3A] : memref<10000x128xf32, #tpu.memory_space<vmem_shared>> -> memref<16x128xf32, #tpu.memory_space<vmem_shared>>
        %dma_wait3A_42 = arith.constant 0 : i32
        %dma_wait3A_43 = tpu.memref_slice %arg14[%add3A_37, %dma_wait3A_42] : memref<10000x128xf32, #tpu.memory_space<vmem_shared>> -> memref<16x128xf32, #tpu.memory_space<vmem_shared>>
        tpu.wait_dma2 semaphore(%run_scoped3A : memref<!tpu.dma_semaphore, #tpu.memory_space<semaphore_mem>>) src(%dma_wait3A_43 : memref<16x128xf32, #tpu.memory_space<vmem_shared>>) dst(%arg12 : memref<16x128xf32, #tpu.memory_space<vmem>>)
        tpu.yield
      }) : () -> ()
      "tpu.region"() ({
        %run_scoped3A = tpu.sem_alloc : memref<!tpu.dma_semaphore, #tpu.memory_space<semaphore_mem>>
        %dma_start3A = arith.constant 0 : i32
        %dma_start3A_38 = tpu.memref_slice %arg7[%arg0, %add3A_37, %dma_start3A] : memref<2x10000x128xf32, #tpu.memory_space<hbm>> -> memref<1x16x128xf32, #tpu.memory_space<hbm>>
        %dma_start3A_39 = tpu.memref_squeeze %dma_start3A_38 : memref<1x16x128xf32, #tpu.memory_space<hbm>> -> memref<16x128xf32, #tpu.memory_space<hbm>>
        %dma_start3A_40 = arith.constant 0 : i32
        %dma_start3A_41 = tpu.memref_slice %arg7[%arg0, %add3A_37, %dma_start3A_40] : memref<2x10000x128xf32, #tpu.memory_space<hbm>> -> memref<1x16x128xf32, #tpu.memory_space<hbm>>
        %dma_start3A_42 = tpu.memref_squeeze %dma_start3A_41 : memref<1x16x128xf32, #tpu.memory_space<hbm>> -> memref<16x128xf32, #tpu.memory_space<hbm>>
        tpu.enqueue_dma source(%arg12 : memref<16x128xf32, #tpu.memory_space<vmem>>) target(%dma_start3A_42 : memref<16x128xf32, #tpu.memory_space<hbm>>) target_semaphore(%run_scoped3A : memref<!tpu.dma_semaphore, #tpu.memory_space<semaphore_mem>>)
        %dma_wait3A = arith.constant 0 : i32
        %dma_wait3A_43 = tpu.memref_slice %arg7[%arg0, %add3A_37, %dma_wait3A] : memref<2x10000x128xf32, #tpu.memory_space<hbm>> -> memref<1x16x128xf32, #tpu.memory_space<hbm>>
        %dma_wait3A_44 = tpu.memref_squeeze %dma_wait3A_43 : memref<1x16x128xf32, #tpu.memory_space<hbm>> -> memref<16x128xf32, #tpu.memory_space<hbm>>
        %dma_wait3A_45 = arith.constant 0 : i32
        %dma_wait3A_46 = tpu.memref_slice %arg7[%arg0, %add3A_37, %dma_wait3A_45] : memref<2x10000x128xf32, #tpu.memory_space<hbm>> -> memref<1x16x128xf32, #tpu.memory_space<hbm>>
        %dma_wait3A_47 = tpu.memref_squeeze %dma_wait3A_46 : memref<1x16x128xf32, #tpu.memory_space<hbm>> -> memref<16x128xf32, #tpu.memory_space<hbm>>
        tpu.wait_dma2 semaphore(%run_scoped3A : memref<!tpu.dma_semaphore, #tpu.memory_space<semaphore_mem>>) src(%arg12 : memref<16x128xf32, #tpu.memory_space<vmem>>) dst(%dma_wait3A_47 : memref<16x128xf32, #tpu.memory_space<hbm>>)
        tpu.yield
      }) : () -> ()
      "tpu.region"() ({
        %run_scoped3A = tpu.sem_alloc : memref<!tpu.dma_semaphore, #tpu.memory_space<semaphore_mem>>
        %dma_start3A = arith.constant 0 : i32
        %dma_start3A_38 = tpu.memref_slice %arg15[%add3A_37, %dma_start3A] : memref<10000x16xf32, #tpu.memory_space<vmem_shared>> -> memref<16x16xf32, #tpu.memory_space<vmem_shared>>
        %dma_start3A_39 = arith.constant 0 : i32
        %dma_start3A_40 = tpu.memref_slice %arg15[%add3A_37, %dma_start3A_39] : memref<10000x16xf32, #tpu.memory_space<vmem_shared>> -> memref<16x16xf32, #tpu.memory_space<vmem_shared>>
        tpu.enqueue_dma source(%dma_start3A_40 : memref<16x16xf32, #tpu.memory_space<vmem_shared>>) target(%arg13 : memref<16x16xf32, #tpu.memory_space<vmem>>) target_semaphore(%run_scoped3A : memref<!tpu.dma_semaphore, #tpu.memory_space<semaphore_mem>>)
        %dma_wait3A = arith.constant 0 : i32
        %dma_wait3A_41 = tpu.memref_slice %arg15[%add3A_37, %dma_wait3A] : memref<10000x16xf32, #tpu.memory_space<vmem_shared>> -> memref<16x16xf32, #tpu.memory_space<vmem_shared>>
        %dma_wait3A_42 = arith.constant 0 : i32
        %dma_wait3A_43 = tpu.memref_slice %arg15[%add3A_37, %dma_wait3A_42] : memref<10000x16xf32, #tpu.memory_space<vmem_shared>> -> memref<16x16xf32, #tpu.memory_space<vmem_shared>>
        tpu.wait_dma2 semaphore(%run_scoped3A : memref<!tpu.dma_semaphore, #tpu.memory_space<semaphore_mem>>) src(%dma_wait3A_43 : memref<16x16xf32, #tpu.memory_space<vmem_shared>>) dst(%arg13 : memref<16x16xf32, #tpu.memory_space<vmem>>)
        tpu.yield
      }) : () -> ()
      "tpu.region"() ({
        %run_scoped3A = tpu.sem_alloc : memref<!tpu.dma_semaphore, #tpu.memory_space<semaphore_mem>>
        %dma_start3A = arith.constant 0 : i32
        %dma_start3A_38 = tpu.memref_slice %arg8[%arg0, %add3A_37, %dma_start3A] : memref<2x10000x16xf32, #tpu.memory_space<hbm>> -> memref<1x16x16xf32, #tpu.memory_space<hbm>>
        %dma_start3A_39 = tpu.memref_squeeze %dma_start3A_38 : memref<1x16x16xf32, #tpu.memory_space<hbm>> -> memref<16x16xf32, #tpu.memory_space<hbm>>
        %dma_start3A_40 = arith.constant 0 : i32
        %dma_start3A_41 = tpu.memref_slice %arg8[%arg0, %add3A_37, %dma_start3A_40] : memref<2x10000x16xf32, #tpu.memory_space<hbm>> -> memref<1x16x16xf32, #tpu.memory_space<hbm>>
        %dma_start3A_42 = tpu.memref_squeeze %dma_start3A_41 : memref<1x16x16xf32, #tpu.memory_space<hbm>> -> memref<16x16xf32, #tpu.memory_space<hbm>>
        tpu.enqueue_dma source(%arg13 : memref<16x16xf32, #tpu.memory_space<vmem>>) target(%dma_start3A_42 : memref<16x16xf32, #tpu.memory_space<hbm>>) target_semaphore(%run_scoped3A : memref<!tpu.dma_semaphore, #tpu.memory_space<semaphore_mem>>)
        %dma_wait3A = arith.constant 0 : i32
        %dma_wait3A_43 = tpu.memref_slice %arg8[%arg0, %add3A_37, %dma_wait3A] : memref<2x10000x16xf32, #tpu.memory_space<hbm>> -> memref<1x16x16xf32, #tpu.memory_space<hbm>>
        %dma_wait3A_44 = tpu.memref_squeeze %dma_wait3A_43 : memref<1x16x16xf32, #tpu.memory_space<hbm>> -> memref<16x16xf32, #tpu.memory_space<hbm>>
        %dma_wait3A_45 = arith.constant 0 : i32
        %dma_wait3A_46 = tpu.memref_slice %arg8[%arg0, %add3A_37, %dma_wait3A_45] : memref<2x10000x16xf32, #tpu.memory_space<hbm>> -> memref<1x16x16xf32, #tpu.memory_space<hbm>>
        %dma_wait3A_47 = tpu.memref_squeeze %dma_wait3A_46 : memref<1x16x16xf32, #tpu.memory_space<hbm>> -> memref<16x16xf32, #tpu.memory_space<hbm>>
        tpu.wait_dma2 semaphore(%run_scoped3A : memref<!tpu.dma_semaphore, #tpu.memory_space<semaphore_mem>>) src(%arg13 : memref<16x16xf32, #tpu.memory_space<vmem>>) dst(%dma_wait3A_47 : memref<16x16xf32, #tpu.memory_space<hbm>>)
        tpu.yield
      }) : () -> ()
    }
    return
  }
}

module attributes {stable_mosaic.version = 14 : i64} {
  func.func @_proj_body(%arg0: i32, %arg1: memref<2000x128xf32, #tpu.memory_space<vmem>>, %arg2: memref<128x128xf32, #tpu.memory_space<vmem>>, %arg3: memref<128x128xf32, #tpu.memory_space<vmem>>, %arg4: memref<1x128xf32, #tpu.memory_space<vmem>>, %arg5: memref<2000x128xf32, #tpu.memory_space<vmem>>, %arg6: memref<2000x128xf32, #tpu.memory_space<vmem>>) attributes {dimension_semantics = [#tpu.dimension_semantics<arbitrary>], iteration_bounds = array<i64: 5>, scalar_prefetch = 0 : i64, scratch_operands = 0 : i64, tpu.core_type = #tpu.core_type<tc>, window_params = [{transform_indices = @transform_0, window_bounds = array<i64: 2000, 128>}, {pipeline_mode = #tpu.pipeline_mode<synchronous>, transform_indices = @transform_1, window_bounds = array<i64: 128, 128>}, {pipeline_mode = #tpu.pipeline_mode<synchronous>, transform_indices = @transform_2, window_bounds = array<i64: 128, 128>}, {pipeline_mode = #tpu.pipeline_mode<synchronous>, transform_indices = @transform_3, window_bounds = array<i64: 1, 128>}, {transform_indices = @transform_4, window_bounds = array<i64: 2000, 128>}, {transform_indices = @transform_5, window_bounds = array<i64: 2000, 128>}]} {
    %get3A = arith.constant 0 : index
    %get3A_0 = arith.constant 0 : index
    %get3A_1 = vector.load %arg1[%get3A, %get3A_0] : memref<2000x128xf32, #tpu.memory_space<vmem>>, vector<2000x128xf32>
    %get3A_2 = arith.constant 0 : index
    %get3A_3 = arith.constant 0 : index
    %get3A_4 = vector.load %arg2[%get3A_2, %get3A_3] : memref<128x128xf32, #tpu.memory_space<vmem>>, vector<128x128xf32>
    %dot_general3A = arith.constant dense<0.000000e+00> : vector<2000x128xf32>
    %dot_general3A_5 = tpu.matmul %get3A_1, %get3A_4, %dot_general3A {dimension_numbers = #tpu.dot_dimension_numbers<[1], [0], [0], [1], [0, 0, 1, 1], [], []>, transpose_lhs_hint = false} : vector<2000x128xf32>, vector<128x128xf32>, vector<2000x128xf32> -> vector<2000x128xf32>
    %get3A_6 = arith.constant 0 : index
    %get3A_7 = arith.constant 0 : index
    %get3A_8 = vector.load %arg4[%get3A_6, %get3A_7] : memref<1x128xf32, #tpu.memory_space<vmem>>, vector<1x128xf32>
    %add3A = vector.broadcast %get3A_8 : vector<1x128xf32> to vector<2000x128xf32>
    %add3A_9 = arith.addf %dot_general3A_5, %add3A : vector<2000x128xf32>
    %swap3A = arith.constant 0 : index
    %swap3A_10 = arith.constant 0 : index
    %swap3A_11 = vector.load %arg5[%swap3A, %swap3A_10] : memref<2000x128xf32, #tpu.memory_space<vmem>>, vector<2000x128xf32>
    tpu.vector_store %arg5[%swap3A, %swap3A_10], %add3A_9 {strides = array<i32>} : memref<2000x128xf32, #tpu.memory_space<vmem>>, vector<2000x128xf32>,
    %get3A_12 = arith.constant 0 : index
    %get3A_13 = arith.constant 0 : index
    %get3A_14 = vector.load %arg3[%get3A_12, %get3A_13] : memref<128x128xf32, #tpu.memory_space<vmem>>, vector<128x128xf32>
    %dot_general3A_15 = arith.constant dense<0.000000e+00> : vector<2000x128xf32>
    %dot_general3A_16 = tpu.matmul %get3A_1, %get3A_14, %dot_general3A_15 {dimension_numbers = #tpu.dot_dimension_numbers<[1], [0], [0], [1], [0, 0, 1, 1], [], []>, transpose_lhs_hint = false} : vector<2000x128xf32>, vector<128x128xf32>, vector<2000x128xf32> -> vector<2000x128xf32>
    %swap3A_17 = arith.constant 0 : index
    %swap3A_18 = arith.constant 0 : index
    %swap3A_19 = vector.load %arg6[%swap3A_17, %swap3A_18] : memref<2000x128xf32, #tpu.memory_space<vmem>>, vector<2000x128xf32>
    tpu.vector_store %arg6[%swap3A_17, %swap3A_18], %dot_general3A_16 {strides = array<i32>} : memref<2000x128xf32, #tpu.memory_space<vmem>>, vector<2000x128xf32>,
    return
  }
  func.func @transform_0(%arg0: i32) -> (i32, i32) {
    %c0_i32 = arith.constant 0 : i32
    %c0_i32_0 = arith.constant 0 : i32
    return %arg0, %c0_i32 : i32, i32
  }
  func.func @transform_1(%arg0: i32) -> (i32, i32) {
    %c0_i32 = arith.constant 0 : i32
    %c0_i32_0 = arith.constant 0 : i32
    %c0_i32_1 = arith.constant 0 : i32
    return %c0_i32, %c0_i32_0 : i32, i32
  }
  func.func @transform_2(%arg0: i32) -> (i32, i32) {
    %c0_i32 = arith.constant 0 : i32
    %c0_i32_0 = arith.constant 0 : i32
    %c0_i32_1 = arith.constant 0 : i32
    return %c0_i32, %c0_i32_0 : i32, i32
  }
  func.func @transform_3(%arg0: i32) -> (i32, i32) {
    %c0_i32 = arith.constant 0 : i32
    %c0_i32_0 = arith.constant 0 : i32
    %c0_i32_1 = arith.constant 0 : i32
    return %c0_i32, %c0_i32_0 : i32, i32
  }
  func.func @transform_4(%arg0: i32) -> (i32, i32) {
    %c0_i32 = arith.constant 0 : i32
    %c0_i32_0 = arith.constant 0 : i32
    return %arg0, %c0_i32 : i32, i32
  }
  func.func @transform_5(%arg0: i32) -> (i32, i32) {
    %c0_i32 = arith.constant 0 : i32
    %c0_i32_0 = arith.constant 0 : i32
    return %arg0, %c0_i32 : i32, i32
  }
}

module attributes {stable_mosaic.version = 14 : i64} {
  func.func @_edge_mlp_body(%arg0: i32, %arg1: memref<2560x128xf32, #tpu.memory_space<vmem>>, %arg2: memref<2560x128xf32, #tpu.memory_space<vmem>>, %arg3: memref<2560x16xf32, #tpu.memory_space<vmem>>, %arg4: memref<2560x16xf32, #tpu.memory_space<vmem>>, %arg5: memref<2560x16xf32, #tpu.memory_space<vmem>>, %arg6: memref<16x128xf32, #tpu.memory_space<vmem>>, %arg7: memref<1x128xf32, #tpu.memory_space<vmem>>, %arg8: memref<128x128xf32, #tpu.memory_space<vmem>>, %arg9: memref<1x128xf32, #tpu.memory_space<vmem>>, %arg10: memref<128x1xf32, #tpu.memory_space<vmem>>, %arg11: memref<1x1xf32, #tpu.memory_space<vmem>>, %arg12: memref<128x128xf32, #tpu.memory_space<vmem>>, %arg13: memref<1x128xf32, #tpu.memory_space<vmem>>, %arg14: memref<128x1xf32, #tpu.memory_space<vmem>>, %arg15: memref<1x1xf32, #tpu.memory_space<vmem>>, %arg16: memref<2560x128xf32, #tpu.memory_space<vmem>>, %arg17: memref<2560x16xf32, #tpu.memory_space<vmem>>) attributes {dimension_semantics = [#tpu.dimension_semantics<arbitrary>], iteration_bounds = array<i64: 125>, scalar_prefetch = 0 : i64, scratch_operands = 0 : i64, tpu.core_type = #tpu.core_type<tc>, window_params = [{transform_indices = @transform_0, window_bounds = array<i64: 2560, 128>}, {transform_indices = @transform_1, window_bounds = array<i64: 2560, 128>}, {transform_indices = @transform_2, window_bounds = array<i64: 2560, 16>}, {transform_indices = @transform_3, window_bounds = array<i64: 2560, 16>}, {transform_indices = @transform_4, window_bounds = array<i64: 2560, 16>}, {pipeline_mode = #tpu.pipeline_mode<synchronous>, transform_indices = @transform_5, window_bounds = array<i64: 16, 128>}, {pipeline_mode = #tpu.pipeline_mode<synchronous>, transform_indices = @transform_6, window_bounds = array<i64: 1, 128>}, {pipeline_mode = #tpu.pipeline_mode<synchronous>, transform_indices = @transform_7, window_bounds = array<i64: 128, 128>}, {pipeline_mode = #tpu.pipeline_mode<synchronous>, transform_indices = @transform_8, window_bounds = array<i64: 1, 128>}, {pipeline_mode = #tpu.pipeline_mode<synchronous>, transform_indices = @transform_9, window_bounds = array<i64: 128, 1>}, {pipeline_mode = #tpu.pipeline_mode<synchronous>, transform_indices = @transform_10, window_bounds = array<i64: 1, 1>}, {pipeline_mode = #tpu.pipeline_mode<synchronous>, transform_indices = @transform_11, window_bounds = array<i64: 128, 128>}, {pipeline_mode = #tpu.pipeline_mode<synchronous>, transform_indices = @transform_12, window_bounds = array<i64: 1, 128>}, {pipeline_mode = #tpu.pipeline_mode<synchronous>, transform_indices = @transform_13, window_bounds = array<i64: 128, 1>}, {pipeline_mode = #tpu.pipeline_mode<synchronous>, transform_indices = @transform_14, window_bounds = array<i64: 1, 1>}, {transform_indices = @transform_15, window_bounds = array<i64: 2560, 128>}, {transform_indices = @transform_16, window_bounds = array<i64: 2560, 16>}]} {
    %get3A = arith.constant 0 : index
    %get3A_0 = arith.constant 0 : index
    %get3A_1 = vector.load %arg3[%get3A, %get3A_0] : memref<2560x16xf32, #tpu.memory_space<vmem>>, vector<2560x16xf32>
    %get3A_2 = arith.constant 0 : index
    %get3A_3 = arith.constant 0 : index
    %get3A_4 = vector.load %arg4[%get3A_2, %get3A_3] : memref<2560x16xf32, #tpu.memory_space<vmem>>, vector<2560x16xf32>
    %sub3A = arith.subf %get3A_1, %get3A_4 : vector<2560x16xf32>
    %mul3A = arith.mulf %sub3A, %sub3A : vector<2560x16xf32>
    %reduce_sum3A = arith.constant dense<0.000000e+00> : vector<2560xf32>
    %reduce_sum3A_5 = vector.multi_reduction <add>, %mul3A, %reduce_sum3A [1] : vector<2560x16xf32> to vector<2560xf32>
    %broadcast_in_dim3A = vector.shape_cast %reduce_sum3A_5 : vector<2560xf32> to vector<2560x1xf32>
    %get3A_6 = arith.constant 0 : index
    %get3A_7 = arith.constant 0 : index
    %get3A_8 = vector.load %arg1[%get3A_6, %get3A_7] : memref<2560x128xf32, #tpu.memory_space<vmem>>, vector<2560x128xf32>
    %get3A_9 = arith.constant 0 : index
    %get3A_10 = arith.constant 0 : index
    %get3A_11 = vector.load %arg2[%get3A_9, %get3A_10] : memref<2560x128xf32, #tpu.memory_space<vmem>>, vector<2560x128xf32>
    %add3A = arith.addf %get3A_8, %get3A_11 : vector<2560x128xf32>
    %get3A_12 = arith.constant 0 : index
    %get3A_13 = arith.constant 0 : index
    %get3A_14 = vector.load %arg7[%get3A_12, %get3A_13] : memref<1x128xf32, #tpu.memory_space<vmem>>, vector<1x128xf32>
    %mul3A_15 = vector.broadcast %broadcast_in_dim3A : vector<2560x1xf32> to vector<2560x128xf32>
    %mul3A_16 = vector.broadcast %get3A_14 : vector<1x128xf32> to vector<2560x128xf32>
    %mul3A_17 = arith.mulf %mul3A_15, %mul3A_16 : vector<2560x128xf32>
    %add3A_18 = arith.addf %add3A, %mul3A_17 : vector<2560x128xf32>
    %get3A_19 = arith.constant 0 : index
    %get3A_20 = arith.constant 0 : index
    %get3A_21 = vector.load %arg5[%get3A_19, %get3A_20] : memref<2560x16xf32, #tpu.memory_space<vmem>>, vector<2560x16xf32>
    %get3A_22 = arith.constant 0 : index
    %get3A_23 = arith.constant 0 : index
    %get3A_24 = vector.load %arg6[%get3A_22, %get3A_23] : memref<16x128xf32, #tpu.memory_space<vmem>>, vector<16x128xf32>
    %dot_general3A = arith.constant dense<0.000000e+00> : vector<2560x128xf32>
    %dot_general3A_25 = tpu.matmul %get3A_21, %get3A_24, %dot_general3A {dimension_numbers = #tpu.dot_dimension_numbers<[1], [0], [0], [1], [0, 0, 1, 1], [], []>, transpose_lhs_hint = false} : vector<2560x16xf32>, vector<16x128xf32>, vector<2560x128xf32> -> vector<2560x128xf32>
    %add3A_26 = arith.addf %add3A_18, %dot_general3A_25 : vector<2560x128xf32>
    %logistic3A = arith.negf %add3A_26 : vector<2560x128xf32>
    %logistic3A_27 = math.exp %logistic3A : vector<2560x128xf32>
    %logistic3A_28 = arith.constant 1.000000e+00 : f32
    %logistic3A_29 = vector.broadcast %logistic3A_28 : f32 to vector<2560x128xf32>
    %logistic3A_30 = arith.addf %logistic3A_29, %logistic3A_27 : vector<2560x128xf32>
    %logistic3A_31 = arith.divf %logistic3A_29, %logistic3A_30 : vector<2560x128xf32>
    %mul3A_32 = arith.mulf %add3A_26, %logistic3A_31 : vector<2560x128xf32>
    %convert_element_type3A = arith.truncf %mul3A_32 : vector<2560x128xf32> to vector<2560x128xbf16>
    %get3A_33 = arith.constant 0 : index
    %get3A_34 = arith.constant 0 : index
    %get3A_35 = vector.load %arg8[%get3A_33, %get3A_34] : memref<128x128xf32, #tpu.memory_space<vmem>>, vector<128x128xf32>
    %convert_element_type3A_36 = arith.truncf %get3A_35 : vector<128x128xf32> to vector<128x128xbf16>
    %dot_general3A_37 = arith.constant dense<0.000000e+00> : vector<2560x128xf32>
    %dot_general3A_38 = tpu.matmul %convert_element_type3A, %convert_element_type3A_36, %dot_general3A_37 {dimension_numbers = #tpu.dot_dimension_numbers<[1], [0], [0], [1], [0, 0, 1, 1], [], []>, transpose_lhs_hint = false} : vector<2560x128xbf16>, vector<128x128xbf16>, vector<2560x128xf32> -> vector<2560x128xf32>
    %get3A_39 = arith.constant 0 : index
    %get3A_40 = arith.constant 0 : index
    %get3A_41 = vector.load %arg9[%get3A_39, %get3A_40] : memref<1x128xf32, #tpu.memory_space<vmem>>, vector<1x128xf32>
    %add3A_42 = vector.broadcast %get3A_41 : vector<1x128xf32> to vector<2560x128xf32>
    %add3A_43 = arith.addf %dot_general3A_38, %add3A_42 : vector<2560x128xf32>
    %get3A_44 = arith.constant 0 : index
    %get3A_45 = arith.constant 0 : index
    %get3A_46 = vector.load %arg10[%get3A_44, %get3A_45] : memref<128x1xf32, #tpu.memory_space<vmem>>, vector<128x1xf32>
    %dot_general3A_47 = arith.constant dense<0.000000e+00> : vector<2560x1xf32>
    %dot_general3A_48 = tpu.matmul %add3A_43, %get3A_46, %dot_general3A_47 {dimension_numbers = #tpu.dot_dimension_numbers<[1], [0], [0], [1], [0, 0, 1, 1], [], []>, transpose_lhs_hint = false} : vector<2560x128xf32>, vector<128x1xf32>, vector<2560x1xf32> -> vector<2560x1xf32>
    %get3A_49 = arith.constant 0 : index
    %get3A_50 = arith.constant 0 : index
    %get3A_51 = vector.load %arg11[%get3A_49, %get3A_50] : memref<1x1xf32, #tpu.memory_space<vmem>>, vector<1x1xf32>
    %add3A_52 = vector.broadcast %get3A_51 : vector<1x1xf32> to vector<2560x1xf32>
    %add3A_53 = arith.addf %dot_general3A_48, %add3A_52 : vector<2560x1xf32>
    %logistic3A_54 = arith.negf %add3A_53 : vector<2560x1xf32>
    %logistic3A_55 = math.exp %logistic3A_54 : vector<2560x1xf32>
    %logistic3A_56 = arith.constant 1.000000e+00 : f32
    %logistic3A_57 = vector.broadcast %logistic3A_56 : f32 to vector<2560x1xf32>
    %logistic3A_58 = arith.addf %logistic3A_57, %logistic3A_55 : vector<2560x1xf32>
    %logistic3A_59 = arith.divf %logistic3A_57, %logistic3A_58 : vector<2560x1xf32>
    %mul3A_60 = vector.broadcast %logistic3A_59 : vector<2560x1xf32> to vector<2560x128xf32>
    %mul3A_61 = arith.mulf %mul3A_60, %add3A_43 : vector<2560x128xf32>
    %convert_element_type3A_62 = arith.truncf %mul3A_61 : vector<2560x128xf32> to vector<2560x128xbf16>
    %get3A_63 = arith.constant 0 : index
    %get3A_64 = arith.constant 0 : index
    %get3A_65 = vector.load %arg12[%get3A_63, %get3A_64] : memref<128x128xf32, #tpu.memory_space<vmem>>, vector<128x128xf32>
    %convert_element_type3A_66 = arith.truncf %get3A_65 : vector<128x128xf32> to vector<128x128xbf16>
    %dot_general3A_67 = arith.constant dense<0.000000e+00> : vector<2560x128xf32>
    %dot_general3A_68 = tpu.matmul %convert_element_type3A_62, %convert_element_type3A_66, %dot_general3A_67 {dimension_numbers = #tpu.dot_dimension_numbers<[1], [0], [0], [1], [0, 0, 1, 1], [], []>, transpose_lhs_hint = false} : vector<2560x128xbf16>, vector<128x128xbf16>, vector<2560x128xf32> -> vector<2560x128xf32>
    %get3A_69 = arith.constant 0 : index
    %get3A_70 = arith.constant 0 : index
    %get3A_71 = vector.load %arg13[%get3A_69, %get3A_70] : memref<1x128xf32, #tpu.memory_space<vmem>>, vector<1x128xf32>
    %add3A_72 = vector.broadcast %get3A_71 : vector<1x128xf32> to vector<2560x128xf32>
    %add3A_73 = arith.addf %dot_general3A_68, %add3A_72 : vector<2560x128xf32>
    %logistic3A_74 = arith.negf %add3A_73 : vector<2560x128xf32>
    %logistic3A_75 = math.exp %logistic3A_74 : vector<2560x128xf32>
    %logistic3A_76 = arith.constant 1.000000e+00 : f32
    %logistic3A_77 = vector.broadcast %logistic3A_76 : f32 to vector<2560x128xf32>
    %logistic3A_78 = arith.addf %logistic3A_77, %logistic3A_75 : vector<2560x128xf32>
    %logistic3A_79 = arith.divf %logistic3A_77, %logistic3A_78 : vector<2560x128xf32>
    %mul3A_80 = arith.mulf %add3A_73, %logistic3A_79 : vector<2560x128xf32>
    %get3A_81 = arith.constant 0 : index
    %get3A_82 = arith.constant 0 : index
    %get3A_83 = vector.load %arg14[%get3A_81, %get3A_82] : memref<128x1xf32, #tpu.memory_space<vmem>>, vector<128x1xf32>
    %dot_general3A_84 = arith.constant dense<0.000000e+00> : vector<2560x1xf32>
    %dot_general3A_85 = tpu.matmul %mul3A_80, %get3A_83, %dot_general3A_84 {dimension_numbers = #tpu.dot_dimension_numbers<[1], [0], [0], [1], [0, 0, 1, 1], [], []>, transpose_lhs_hint = false} : vector<2560x128xf32>, vector<128x1xf32>, vector<2560x1xf32> -> vector<2560x1xf32>
    %get3A_86 = arith.constant 0 : index
    %get3A_87 = arith.constant 0 : index
    %get3A_88 = vector.load %arg15[%get3A_86, %get3A_87] : memref<1x1xf32, #tpu.memory_space<vmem>>, vector<1x1xf32>
    %add3A_89 = vector.broadcast %get3A_88 : vector<1x1xf32> to vector<2560x1xf32>
    %add3A_90 = arith.addf %dot_general3A_85, %add3A_89 : vector<2560x1xf32>
    %tanh3A = math.tanh %add3A_90 : vector<2560x1xf32>
    %swap3A = arith.constant 0 : index
    %swap3A_91 = arith.constant 0 : index
    %swap3A_92 = vector.load %arg16[%swap3A, %swap3A_91] : memref<2560x128xf32, #tpu.memory_space<vmem>>, vector<2560x128xf32>
    tpu.vector_store %arg16[%swap3A, %swap3A_91], %mul3A_61 {strides = array<i32>} : memref<2560x128xf32, #tpu.memory_space<vmem>>, vector<2560x128xf32>,
    %iota3A = tpu.iota {dimensions = array<i32: 1>} : vector<2560x16xi32>
    %eq3A = arith.constant 3 : i32
    %eq3A_93 = vector.broadcast %eq3A : i32 to vector<2560x16xi32>
    %eq3A_94 = arith.cmpi eq, %iota3A, %eq3A_93 : vector<2560x16xi32>
    %mul3A_95 = vector.broadcast %tanh3A : vector<2560x1xf32> to vector<2560x16xf32>
    %mul3A_96 = arith.mulf %sub3A, %mul3A_95 : vector<2560x16xf32>
    %jit3A = arith.constant 1.000000e+00 : f32
    %broadcast_in_dim3A_97 = vector.broadcast %jit3A : f32 to vector<2560x16xf32>
    %select_n3A = arith.select %eq3A_94, %broadcast_in_dim3A_97, %mul3A_96 : vector<2560x16xi1>, vector<2560x16xf32>
    %swap3A_98 = arith.constant 0 : index
    %swap3A_99 = arith.constant 0 : index
    %swap3A_100 = vector.load %arg17[%swap3A_98, %swap3A_99] : memref<2560x16xf32, #tpu.memory_space<vmem>>, vector<2560x16xf32>
    tpu.vector_store %arg17[%swap3A_98, %swap3A_99], %select_n3A {strides = array<i32>} : memref<2560x16xf32, #tpu.memory_space<vmem>>, vector<2560x16xf32>,
    return
  }
  func.func @transform_0(%arg0: i32) -> (i32, i32) {
    %c0_i32 = arith.constant 0 : i32
    %c0_i32_0 = arith.constant 0 : i32
    return %arg0, %c0_i32 : i32, i32
  }
  func.func @transform_1(%arg0: i32) -> (i32, i32) {
    %c0_i32 = arith.constant 0 : i32
    %c0_i32_0 = arith.constant 0 : i32
    return %arg0, %c0_i32 : i32, i32
  }
  func.func @transform_2(%arg0: i32) -> (i32, i32) {
    %c0_i32 = arith.constant 0 : i32
    %c0_i32_0 = arith.constant 0 : i32
    return %arg0, %c0_i32 : i32, i32
  }
  func.func @transform_3(%arg0: i32) -> (i32, i32) {
    %c0_i32 = arith.constant 0 : i32
    %c0_i32_0 = arith.constant 0 : i32
    return %arg0, %c0_i32 : i32, i32
  }
  func.func @transform_4(%arg0: i32) -> (i32, i32) {
    %c0_i32 = arith.constant 0 : i32
    %c0_i32_0 = arith.constant 0 : i32
    return %arg0, %c0_i32 : i32, i32
  }
  func.func @transform_5(%arg0: i32) -> (i32, i32) {
    %c0_i32 = arith.constant 0 : i32
    %c0_i32_0 = arith.constant 0 : i32
    %c0_i32_1 = arith.constant 0 : i32
    return %c0_i32, %c0_i32_0 : i32, i32
  }
  func.func @transform_6(%arg0: i32) -> (i32, i32) {
    %c0_i32 = arith.constant 0 : i32
    %c0_i32_0 = arith.constant 0 : i32
    %c0_i32_1 = arith.constant 0 : i32
    return %c0_i32, %c0_i32_0 : i32, i32
  }
  func.func @transform_7(%arg0: i32) -> (i32, i32) {
    %c0_i32 = arith.constant 0 : i32
    %c0_i32_0 = arith.constant 0 : i32
    %c0_i32_1 = arith.constant 0 : i32
    return %c0_i32, %c0_i32_0 : i32, i32
  }
  func.func @transform_8(%arg0: i32) -> (i32, i32) {
    %c0_i32 = arith.constant 0 : i32
    %c0_i32_0 = arith.constant 0 : i32
    %c0_i32_1 = arith.constant 0 : i32
    return %c0_i32, %c0_i32_0 : i32, i32
  }
  func.func @transform_9(%arg0: i32) -> (i32, i32) {
    %c0_i32 = arith.constant 0 : i32
    %c0_i32_0 = arith.constant 0 : i32
    %c0_i32_1 = arith.constant 0 : i32
    return %c0_i32, %c0_i32_0 : i32, i32
  }
  func.func @transform_10(%arg0: i32) -> (i32, i32) {
    %c0_i32 = arith.constant 0 : i32
    %c0_i32_0 = arith.constant 0 : i32
    %c0_i32_1 = arith.constant 0 : i32
    return %c0_i32, %c0_i32_0 : i32, i32
  }
  func.func @transform_11(%arg0: i32) -> (i32, i32) {
    %c0_i32 = arith.constant 0 : i32
    %c0_i32_0 = arith.constant 0 : i32
    %c0_i32_1 = arith.constant 0 : i32
    return %c0_i32, %c0_i32_0 : i32, i32
  }
  func.func @transform_12(%arg0: i32) -> (i32, i32) {
    %c0_i32 = arith.constant 0 : i32
    %c0_i32_0 = arith.constant 0 : i32
    %c0_i32_1 = arith.constant 0 : i32
    return %c0_i32, %c0_i32_0 : i32, i32
  }
  func.func @transform_13(%arg0: i32) -> (i32, i32) {
    %c0_i32 = arith.constant 0 : i32
    %c0_i32_0 = arith.constant 0 : i32
    %c0_i32_1 = arith.constant 0 : i32
    return %c0_i32, %c0_i32_0 : i32, i32
  }
  func.func @transform_14(%arg0: i32) -> (i32, i32) {
    %c0_i32 = arith.constant 0 : i32
    %c0_i32_0 = arith.constant 0 : i32
    %c0_i32_1 = arith.constant 0 : i32
    return %c0_i32, %c0_i32_0 : i32, i32
  }
  func.func @transform_15(%arg0: i32) -> (i32, i32) {
    %c0_i32 = arith.constant 0 : i32
    %c0_i32_0 = arith.constant 0 : i32
    return %arg0, %c0_i32 : i32, i32
  }
  func.func @transform_16(%arg0: i32) -> (i32, i32) {
    %c0_i32 = arith.constant 0 : i32
    %c0_i32_0 = arith.constant 0 : i32
    return %arg0, %c0_i32 : i32, i32
  }
}

module attributes {stable_mosaic.version = 14 : i64} {
  func.func @_final_body(%arg0: i32, %arg1: memref<2000x128xf32, #tpu.memory_space<vmem>>, %arg2: memref<2x2000x128xf32, #tpu.memory_space<vmem>>, %arg3: memref<2x2000x16xf32, #tpu.memory_space<vmem>>, %arg4: memref<2000x16xf32, #tpu.memory_space<vmem>>, %arg5: memref<256x128xf32, #tpu.memory_space<vmem>>, %arg6: memref<1x128xf32, #tpu.memory_space<vmem>>, %arg7: memref<128x128xf32, #tpu.memory_space<vmem>>, %arg8: memref<1x128xf32, #tpu.memory_space<vmem>>, %arg9: memref<2000x128xf32, #tpu.memory_space<vmem>>, %arg10: memref<2000x16xf32, #tpu.memory_space<vmem>>) attributes {dimension_semantics = [#tpu.dimension_semantics<arbitrary>], iteration_bounds = array<i64: 5>, scalar_prefetch = 0 : i64, scratch_operands = 0 : i64, tpu.core_type = #tpu.core_type<tc>, window_params = [{transform_indices = @transform_0, window_bounds = array<i64: 2000, 128>}, {transform_indices = @transform_1, window_bounds = array<i64: 2, 2000, 128>}, {transform_indices = @transform_2, window_bounds = array<i64: 2, 2000, 16>}, {transform_indices = @transform_3, window_bounds = array<i64: 2000, 16>}, {pipeline_mode = #tpu.pipeline_mode<synchronous>, transform_indices = @transform_4, window_bounds = array<i64: 256, 128>}, {pipeline_mode = #tpu.pipeline_mode<synchronous>, transform_indices = @transform_5, window_bounds = array<i64: 1, 128>}, {pipeline_mode = #tpu.pipeline_mode<synchronous>, transform_indices = @transform_6, window_bounds = array<i64: 128, 128>}, {pipeline_mode = #tpu.pipeline_mode<synchronous>, transform_indices = @transform_7, window_bounds = array<i64: 1, 128>}, {transform_indices = @transform_8, window_bounds = array<i64: 2000, 128>}, {transform_indices = @transform_9, window_bounds = array<i64: 2000, 16>}]} {
    %get3A = arith.constant 0 : index
    %get3A_0 = arith.constant 0 : index
    %get3A_1 = arith.constant 0 : index
    %get3A_2 = vector.load %arg2[%get3A, %get3A_0, %get3A_1] : memref<2x2000x128xf32, #tpu.memory_space<vmem>>, vector<1x2000x128xf32>
    %get3A_3 = vector.shape_cast %get3A_2 : vector<1x2000x128xf32> to vector<2000x128xf32>
    %get3A_4 = arith.constant 1 : index
    %get3A_5 = arith.constant 0 : index
    %get3A_6 = arith.constant 0 : index
    %get3A_7 = vector.load %arg2[%get3A_4, %get3A_5, %get3A_6] : memref<2x2000x128xf32, #tpu.memory_space<vmem>>, vector<1x2000x128xf32>
    %get3A_8 = vector.shape_cast %get3A_7 : vector<1x2000x128xf32> to vector<2000x128xf32>
    %add3A = arith.addf %get3A_3, %get3A_8 : vector<2000x128xf32>
    %get3A_9 = arith.constant 0 : index
    %get3A_10 = arith.constant 0 : index
    %get3A_11 = arith.constant 0 : index
    %get3A_12 = vector.load %arg3[%get3A_9, %get3A_10, %get3A_11] : memref<2x2000x16xf32, #tpu.memory_space<vmem>>, vector<1x2000x16xf32>
    %get3A_13 = vector.shape_cast %get3A_12 : vector<1x2000x16xf32> to vector<2000x16xf32>
    %get3A_14 = arith.constant 1 : index
    %get3A_15 = arith.constant 0 : index
    %get3A_16 = arith.constant 0 : index
    %get3A_17 = vector.load %arg3[%get3A_14, %get3A_15, %get3A_16] : memref<2x2000x16xf32, #tpu.memory_space<vmem>>, vector<1x2000x16xf32>
    %get3A_18 = vector.shape_cast %get3A_17 : vector<1x2000x16xf32> to vector<2000x16xf32>
    %add3A_19 = arith.addf %get3A_13, %get3A_18 : vector<2000x16xf32>
    %slice3A = vector.extract_strided_slice %add3A_19 {offsets = [0, 3], sizes = [2000, 1], strides = [1, 1]} : vector<2000x16xf32> to vector<2000x1xf32>
    %get3A_20 = arith.constant 0 : index
    %get3A_21 = arith.constant 0 : index
    %get3A_22 = vector.load %arg1[%get3A_20, %get3A_21] : memref<2000x128xf32, #tpu.memory_space<vmem>>, vector<2000x128xf32>
    %concatenate3A = tpu.concatenate %get3A_22, %add3A in 1 : vector<2000x128xf32>, vector<2000x128xf32> -> vector<2000x256xf32>
    %get3A_23 = arith.constant 0 : index
    %get3A_24 = arith.constant 0 : index
    %get3A_25 = vector.load %arg5[%get3A_23, %get3A_24] : memref<256x128xf32, #tpu.memory_space<vmem>>, vector<256x128xf32>
    %dot_general3A = arith.constant dense<0.000000e+00> : vector<2000x128xf32>
    %dot_general3A_26 = tpu.matmul %concatenate3A, %get3A_25, %dot_general3A {dimension_numbers = #tpu.dot_dimension_numbers<[1], [0], [0], [1], [0, 0, 1, 1], [], []>, transpose_lhs_hint = false} : vector<2000x256xf32>, vector<256x128xf32>, vector<2000x128xf32> -> vector<2000x128xf32>
    %get3A_27 = arith.constant 0 : index
    %get3A_28 = arith.constant 0 : index
    %get3A_29 = vector.load %arg6[%get3A_27, %get3A_28] : memref<1x128xf32, #tpu.memory_space<vmem>>, vector<1x128xf32>
    %add3A_30 = vector.broadcast %get3A_29 : vector<1x128xf32> to vector<2000x128xf32>
    %add3A_31 = arith.addf %dot_general3A_26, %add3A_30 : vector<2000x128xf32>
    %logistic3A = arith.negf %add3A_31 : vector<2000x128xf32>
    %logistic3A_32 = math.exp %logistic3A : vector<2000x128xf32>
    %logistic3A_33 = arith.constant 1.000000e+00 : f32
    %logistic3A_34 = vector.broadcast %logistic3A_33 : f32 to vector<2000x128xf32>
    %logistic3A_35 = arith.addf %logistic3A_34, %logistic3A_32 : vector<2000x128xf32>
    %logistic3A_36 = arith.divf %logistic3A_34, %logistic3A_35 : vector<2000x128xf32>
    %mul3A = arith.mulf %add3A_31, %logistic3A_36 : vector<2000x128xf32>
    %get3A_37 = arith.constant 0 : index
    %get3A_38 = arith.constant 0 : index
    %get3A_39 = vector.load %arg7[%get3A_37, %get3A_38] : memref<128x128xf32, #tpu.memory_space<vmem>>, vector<128x128xf32>
    %dot_general3A_40 = arith.constant dense<0.000000e+00> : vector<2000x128xf32>
    %dot_general3A_41 = tpu.matmul %mul3A, %get3A_39, %dot_general3A_40 {dimension_numbers = #tpu.dot_dimension_numbers<[1], [0], [0], [1], [0, 0, 1, 1], [], []>, transpose_lhs_hint = false} : vector<2000x128xf32>, vector<128x128xf32>, vector<2000x128xf32> -> vector<2000x128xf32>
    %add3A_42 = arith.addf %get3A_22, %dot_general3A_41 : vector<2000x128xf32>
    %get3A_43 = arith.constant 0 : index
    %get3A_44 = arith.constant 0 : index
    %get3A_45 = vector.load %arg8[%get3A_43, %get3A_44] : memref<1x128xf32, #tpu.memory_space<vmem>>, vector<1x128xf32>
    %add3A_46 = vector.broadcast %get3A_45 : vector<1x128xf32> to vector<2000x128xf32>
    %add3A_47 = arith.addf %add3A_42, %add3A_46 : vector<2000x128xf32>
    %swap3A = arith.constant 0 : index
    %swap3A_48 = arith.constant 0 : index
    %swap3A_49 = vector.load %arg9[%swap3A, %swap3A_48] : memref<2000x128xf32, #tpu.memory_space<vmem>>, vector<2000x128xf32>
    tpu.vector_store %arg9[%swap3A, %swap3A_48], %add3A_47 {strides = array<i32>} : memref<2000x128xf32, #tpu.memory_space<vmem>>, vector<2000x128xf32>,
    %get3A_50 = arith.constant 0 : index
    %get3A_51 = arith.constant 0 : index
    %get3A_52 = vector.load %arg4[%get3A_50, %get3A_51] : memref<2000x16xf32, #tpu.memory_space<vmem>>, vector<2000x16xf32>
    %add3A_53 = arith.constant 1.000000e+00 : f32
    %add3A_54 = vector.broadcast %add3A_53 : f32 to vector<2000x1xf32>
    %add3A_55 = arith.addf %slice3A, %add3A_54 : vector<2000x1xf32>
    %div3A = arith.constant 1.000000e+00 : f32
    %div3A_56 = vector.broadcast %div3A : f32 to vector<2000x1xf32>
    %div3A_57 = arith.divf %div3A_56, %add3A_55 : vector<2000x1xf32>
    %mul3A_58 = vector.broadcast %div3A_57 : vector<2000x1xf32> to vector<2000x16xf32>
    %mul3A_59 = arith.mulf %add3A_19, %mul3A_58 : vector<2000x16xf32>
    %add3A_60 = arith.addf %get3A_52, %mul3A_59 : vector<2000x16xf32>
    %swap3A_61 = arith.constant 0 : index
    %swap3A_62 = arith.constant 0 : index
    %swap3A_63 = vector.load %arg10[%swap3A_61, %swap3A_62] : memref<2000x16xf32, #tpu.memory_space<vmem>>, vector<2000x16xf32>
    tpu.vector_store %arg10[%swap3A_61, %swap3A_62], %add3A_60 {strides = array<i32>} : memref<2000x16xf32, #tpu.memory_space<vmem>>, vector<2000x16xf32>,
    return
  }
  func.func @transform_0(%arg0: i32) -> (i32, i32) {
    %c0_i32 = arith.constant 0 : i32
    %c0_i32_0 = arith.constant 0 : i32
    return %arg0, %c0_i32 : i32, i32
  }
  func.func @transform_1(%arg0: i32) -> (i32, i32, i32) {
    %c0_i32 = arith.constant 0 : i32
    %c0_i32_0 = arith.constant 0 : i32
    %c0_i32_1 = arith.constant 0 : i32
    return %c0_i32, %arg0, %c0_i32_0 : i32, i32, i32
  }
  func.func @transform_2(%arg0: i32) -> (i32, i32, i32) {
    %c0_i32 = arith.constant 0 : i32
    %c0_i32_0 = arith.constant 0 : i32
    %c0_i32_1 = arith.constant 0 : i32
    return %c0_i32, %arg0, %c0_i32_0 : i32, i32, i32
  }
  func.func @transform_3(%arg0: i32) -> (i32, i32) {
    %c0_i32 = arith.constant 0 : i32
    %c0_i32_0 = arith.constant 0 : i32
    return %arg0, %c0_i32 : i32, i32
  }
  func.func @transform_4(%arg0: i32) -> (i32, i32) {
    %c0_i32 = arith.constant 0 : i32
    %c0_i32_0 = arith.constant 0 : i32
    %c0_i32_1 = arith.constant 0 : i32
    return %c0_i32, %c0_i32_0 : i32, i32
  }
  func.func @transform_5(%arg0: i32) -> (i32, i32) {
    %c0_i32 = arith.constant 0 : i32
    %c0_i32_0 = arith.constant 0 : i32
    %c0_i32_1 = arith.constant 0 : i32
    return %c0_i32, %c0_i32_0 : i32, i32
  }
  func.func @transform_6(%arg0: i32) -> (i32, i32) {
    %c0_i32 = arith.constant 0 : i32
    %c0_i32_0 = arith.constant 0 : i32
    %c0_i32_1 = arith.constant 0 : i32
    return %c0_i32, %c0_i32_0 : i32, i32
  }
  func.func @transform_7(%arg0: i32) -> (i32, i32) {
    %c0_i32 = arith.constant 0 : i32
    %c0_i32_0 = arith.constant 0 : i32
    %c0_i32_1 = arith.constant 0 : i32
    return %c0_i32, %c0_i32_0 : i32, i32
  }
  func.func @transform_8(%arg0: i32) -> (i32, i32) {
    %c0_i32 = arith.constant 0 : i32
    %c0_i32_0 = arith.constant 0 : i32
    return %arg0, %c0_i32 : i32, i32
  }
  func.func @transform_9(%arg0: i32) -> (i32, i32) {
    %c0_i32 = arith.constant 0 : i32
    %c0_i32_0 = arith.constant 0 : i32
    return %arg0, %c0_i32 : i32, i32
  }
}

</mosaic_0001>

<sc_bundles>
// kernel: kernel.10.cloned.1.call-start
scs
__scs_entry_jumppad:
0x0: {  	(pc) =	sbr.rel $0x88, $3  }
0x1: {  	(tag) =	ssettag $0x0;
	lr =	simm.s32 $0x1  }
0x2: {  	[smem:$0x3F8F] =	sst lr;
	_ =	strace $0xD0000000  }
0x3: {  	_ = 	snop  }
0x4: {  	_ = 	snop  }
0x5: {  	_ = 	snop  }
0x6: {  	_ = 	snop  }
0x7: {  	_ = 	snop  }
__scs_overlays_trampoline_lowered:
0x8: {  	[smem:$0x3F9E] =	sst s0  }
0x9: {  	[smem:$0x3F9F] =	sst s1  }
0xa: {  	[smem:$0x3FA0] =	sst s2  }
0xb: {  	[smem:$0x3FA1] =	sst s3  }
0xc: {  	[smem:$0x3FA2] =	sst s4  }
0xd: {  	[smem:$0x3FA3] =	sst s5  }
0xe: {  	[smem:$0x3FA4] =	sst s6  }
0xf: {  	[smem:$0x3FA5] =	sst s7  }
0x10: {  	[smem:$0x3FA6] =	sst s8  }
0x11: {  	[smem:$0x3FA7] =	sst s9;
	s0 =	simm.s32 @!p0 $0x0  }
0x12: {  	s1 =	sld [smem:$0x3F8D];
	s0 =	simm.s32 @p0 $0x1  }
0x13: {  	[smem:$0x3FA8] =	sst s0;
	s0 =	simm.s32 @!p1 $0x0  }
0x14: {  	s2 =	sld [smem:$0x3F8C];
	s0 =	simm.s32 @p1 $0x1  }
0x15: {  	[smem:$0x3FA9] =	sst s0;
	s0 =	simm.s32 @!p2 $0x0  }
0x16: {  	s3 =	sld [smem:$0x3FDB];
	s0 =	simm.s32 @p2 $0x1  }
0x17: {  	s4 =	simm.s32 $0x1BF5;
	[smem:$0x3FAB] =	sst s0  }
0x18: {  	s0 =	sld [smem:$0x3F8E];
	_ =	swait.ge [sflag:s4], $0x0  }
0x19: {  	s7 =	sld [smem:$0x3F8F]  }
0x1a: {  	s8 =	sadd.s32 $0xFFFFE003, lr  }
0x1b: {  	s9 =	sadd.s32 $0xFFFFFEF7, lr;
	s5 =	simm.s32 $0xFFFFFFFF;
	p2 =	slt.u32 s8, $0xFFFFF086  }
0x1c: {  	p1 =	slt.u32 s9, $0xF7A;
	s5 =	simm.s32 @!p2 $0x0  }
0x1d: {  	s5 =	simm.s32 @p1 $0x1;
	p0 =	seq.s32 s7, s2  }
0x1e: {  	s7 =	smul.u32 @!p0 $0xF7A, s2;
	p2 =	seq.s32 @!p0 s5, $0x0  }
0x1f: {  	s9 =	smul.u32 $0xF7A, s1;
	s8 =	simm.s32 @!p0 $0x1BF5;
	p2 =	por !p2, p0  }
0x20: {  	[sflag:s8] =	ssyncset.s32 @!p0 $0xFFFFF086;
	s6 =	sadd.s32 @!p0 s3, s7;
	s7 =	simm.s32 @!p0 $0x108  }
0x21: {  	s3 =	sadd.s32 s3, s9;
	s6 =	sadd.s32 @!p0 $0x88, s6;
	s7 =	simm.s32 @p2 $0x1082  }
0x22: {  	[simem:s7], [sflag:s8] =	dma.local @!p0 [hbm:s6], $0xF7A  }
0x23: {  	s9 =	sor.u32 $0xD0000000, s2;
	s6 =	simm.s32 $0x108;
	_ =	swait.ge @!p0 [sflag:s8], $0x0  }
0x24: {  	s3 =	sadd.s32 $0x88, s3;
	s6 =	simm.s32 @!p1 $0x1082;
	[sflag:s4] =	ssyncset.s32 $0xFFFFF086  }
0x25: {  	[simem:s6], [sflag:s4] =	dma.local [hbm:s3], $0xF7A  }
0x26: {  	[smem:$0x3F8F] =	sst s1;
	(tag) =	ssettag s2;
	_ =	strace s9  }
0x27: {  	s1 =	sld [smem:$0x3F9F]  }
0x28: {  	s2 =	sld [smem:$0x3FA0]  }
0x29: {  	s4 =	sld [smem:$0x3FA2]  }
0x2a: {  	p0 =	seq.s32 s5, $0x0;
	s5 =	sld [smem:$0x3FA3]  }
0x2b: {  	s6 =	sld [smem:$0x3FA4]  }
0x2c: {  	s7 =	sld [smem:$0x3FA5]  }
0x2d: {  	s3 =	simm.s32 $0x108;
	s8 =	sld [smem:$0x3FA6]  }
0x2e: {  	s3 =	simm.s32 @!p0 $0x1082;
	s9 =	sld [smem:$0x3FA7]  }
0x2f: {  	lr =	sadd.s32 s0, s3;
	s0 =	sld [smem:$0x3F9E]  }
0x30: {  	s3 =	sld [smem:$0x3FA1]  }
0x31: {  	[smem:$0x3FAA] =	sst s10  }
0x32: {  	s10 =	sld [smem:$0x3FA8];
	_ =	sdelay $0x3  }
0x33: {  	p0 =	seq.s32 s10, $0x1;
	s10 =	sld [smem:$0x3FAA];
	_ =	sdelay $0x3  }
0x34: {  	[smem:$0x3FAA] =	sst s10  }
0x35: {  	s10 =	sld [smem:$0x3FA9];
	_ =	sdelay $0x3  }
0x36: {  	p1 =	seq.s32 s10, $0x1;
	s10 =	sld [smem:$0x3FAA];
	_ =	sdelay $0x3  }
0x37: {  	[smem:$0x3FAA] =	sst s10  }
0x38: {  	s10 =	sld [smem:$0x3FAB]  }
0x39: {  	_ = 	snop;
	(pc) =	sbr.ind lr, $3  }
0x3a: {  	_ = 	snop  }
0x3b: {  	_ = 	snop  }
0x3c: {  	p2 =	seq.s32 s10, $0x1;
	s10 =	sld [smem:$0x3FAA]  }
0x3d: {  	_ =	shalt  }
0x3e: {  	_ =	shalt  }
0x3f: {  	_ =	shalt  }
0x40: {  	_ =	shalt  }
0x41: {  	_ =	shalt  }
0x42: {  	_ =	shalt  }
0x43: {  	_ =	shalt  }
0x44: {  	_ =	shalt  }
0x45: {  	_ =	shalt  }
0x46: {  	_ =	shalt  }
0x47: {  	_ =	shalt  }
0x48: {  	_ =	shalt  }
0x49: {  	_ =	shalt  }
0x4a: {  	_ =	shalt  }
0x4b: {  	_ =	shalt  }
0x4c: {  	_ =	shalt  }
0x4d: {  	_ =	shalt  }
0x4e: {  	_ =	shalt  }
0x4f: {  	_ =	shalt  }
0x50: {  	_ =	shalt  }
0x51: {  	_ =	shalt  }
0x52: {  	_ =	shalt  }
0x53: {  	_ =	shalt  }
0x54: {  	_ =	shalt  }
0x55: {  	_ =	shalt  }
0x56: {  	_ =	shalt  }
0x57: {  	_ =	shalt  }
0x58: {  	_ =	shalt  }
0x59: {  	_ =	shalt  }
0x5a: {  	_ =	shalt  }
0x5b: {  	_ =	shalt  }
0x5c: {  	_ =	shalt  }
0x5d: {  	_ =	shalt  }
0x5e: {  	_ =	shalt  }
0x5f: {  	_ =	shalt  }
0x60: {  	_ =	shalt  }
0x61: {  	_ =	shalt  }
0x62: {  	_ =	shalt  }
0x63: {  	_ =	shalt  }
0x64: {  	_ =	shalt  }
0x65: {  	_ =	shalt  }
0x66: {  	_ =	shalt  }
0x67: {  	_ =	shalt  }
0x68: {  	_ =	shalt  }
0x69: {  	_ =	shalt  }
0x6a: {  	_ =	shalt  }
0x6b: {  	_ =	shalt  }
0x6c: {  	_ =	shalt  }
0x6d: {  	_ =	shalt  }
0x6e: {  	_ =	shalt  }
0x6f: {  	_ =	shalt  }
0x70: {  	_ =	shalt  }
0x71: {  	_ =	shalt  }
0x72: {  	_ =	shalt  }
0x73: {  	_ =	shalt  }
0x74: {  	_ =	shalt  }
0x75: {  	_ =	shalt  }
0x76: {  	_ =	shalt  }
0x77: {  	_ =	shalt  }
0x78: {  	_ =	shalt  }
0x79: {  	_ =	shalt  }
0x7a: {  	_ =	shalt  }
0x7b: {  	_ =	shalt  }
0x7c: {  	_ =	shalt  }
0x7d: {  	_ =	shalt  }
0x7e: {  	_ =	shalt  }
0x7f: {  	_ =	shalt  }
0x80: {  	_ =	shalt  }
0x81: {  	_ =	shalt  }
0x82: {  	_ =	shalt  }
0x83: {  	_ =	shalt  }
0x84: {  	_ =	shalt  }
0x85: {  	_ =	shalt  }
0x86: {  	_ =	shalt  }
0x87: {  	_ =	shalt  }
.Lfunc_end0:
.L_simem_size_0:
called_computation.1_lowered:
.L_overlay_start_0:
0x88: {  	s2 =	sld [smem:$0x3FD9]  }
0x89: {  	s3 =	sld [smem:$0x3FFE];
	_ =	sdelay $0x1  }
0x8a: {  	s1 =	srdreg.scid  }
0x8b: {  	s0 =	sand.u32 $0x1, s1  }
0x8c: {  	s14 =	sshll.u32 s0, $0xA;
	s2 =	sadd.s32 s3, s2  }
0x8d: {  	s2 =	sadd.s32 s2, s14  }
0x8e: {  	[smem:$0x3FB6] =	sst s2  }
0x8f: {  	_ = 	snop  }
0x90: {  	s2 =	sld [smem:$0x3FD0];
	_ =	sdelay $0x2  }
0x91: {  	s15 =	simm.s32 $0xA;
	s4 =	simm.s32 $0x10  }
0x92: {  	[smem:s4], [sflag:s15] =	dma.local [hbm:s2], $0x1  }
0x93: {  	_ =	swait.eq [sflag:s15], $0x1  }
0x94: {  	[sflag:s15] =	ssyncset.done $0x0  }
0x95: {  	s16 =	sld [smem:$0x10];
	[sflag:s15] =	ssyncadd.s32 $0xFFFFFFFF  }
0x96: {  	s17 =	sld [smem:$0x11];
	(tm) =	ssettm $0x1  }
0x97: {  	s18 =	sld [smem:$0x3FFB];
	_ =	sdelay $0x3  }
0x98: {  	_ =	strace s18  }
0x99: {  	s4 =	sld [smem:$0x3FFC];
	_ =	sdelay $0x3  }
0x9a: {  	_ =	strace s4  }
0x9b: {  	s4 =	sld [smem:$0x3FFD];
	_ =	sdelay $0x3  }
0x9c: {  	_ =	strace s4  }
0x9d: {  	_ =	strace $0x8FFFFFFF  }
0x9e: {  	s19 =	sld [smem:$0x3FDB];
	_ =	sdelay $0x1  }
0x9f: {  	s5 =	simm.s32 $_scs_section_size  }
0xa0: {  	s6 =	simm.s32 $_size__tile_overlayer_lowered;
	s7 =	simm.s32 $_tile_overlayer_lowered  }
0xa1: {  	s22 =	simm.s32 $0x1BFF;
	s21 =	sshll.u32 s7, $0x1;
	s4 =	sadd.s32 s5, s19  }
0xa2: {  	s8 =	simm.s32 $0x0;
	s20 =	sshll.u32 s6, $0x1;
	s6 =	sadd.s32 s21, s4  }
0xa3: {  	[timem:s8], [sflag:s22] =	dma.local [hbm:s6], s20  }
0xa4: {  	_ =	swait.ge [sflag:s22], s20  }
0xa5: {  	s5 =	ssub.s32 $0x0, s20;
	[sflag:s22] =	ssyncset.done $0x0  }
0xa6: {  	[sflag:s22] =	ssyncadd.s32 s5;
	_ =	sdelay $0x1  }
0xa7: {  	s23 =	simm.s32 $0x1B8B  }
0xa8: {  	_ =	swait.ge [sflag:s23], $0x1  }
0xa9: {  	[sflag:s23] =	ssyncset.done $0x0  }
0xaa: {  	s25 =	simm.s32 $0x1B8E;
	s24 =	sld [smem:$0x3FFE];
	[sflag:s23] =	ssyncadd.s32 $0xFFFFFFFF  }
0xab: {  	s26 =	simm.s32 $execute0_lowered;
	[smem:$0x3FD2] =	sst s25  }
0xac: {  	s6 =	sshll.u32 s26, $0x1;
	_ =	strace $0x80000049;
	[dreg:$0x1] =	wrdreg $0xFFFFFFFF  }
0xad: {  	s28 =	simm.s32 $_size_execute0_lowered;
	s4 =	sadd.s32 s4, s6;
	[dreg:$0x0] =	wrdreg $0x0  }
0xae: {  	s6 =	sshll.u32 s28, $0x1;
	[dreg:$0x2] =	wrdreg s4  }
0xaf: {  	[dreg:$0x3] =	wrdreg s6  }
0xb0: {  	[dreg:$0x4] =	wrdreg $0xC0  }
0xb1: {  	_ =	task [dreg:s8], $0x5FFFF  }
0xb2: {  	[dreg:$0x1] =	wrdreg $0xFFFFFFFF  }
0xb3: {  	[dreg:$0x0] =	wrdreg $0x60  }
0xb4: {  	[dreg:$0x2] =	wrdreg s24  }
0xb5: {  	[dreg:$0x3] =	wrdreg s17  }
0xb6: {  	[dreg:$0x4] =	wrdreg s16  }
0xb7: {  	[dreg:$0x5] =	wrdreg $0x36500  }
0xb8: {  	[dreg:$0x6] =	wrdreg $0x16ED00  }
0xb9: {  	[dreg:$0x7] =	wrdreg $0x9  }
0xba: {  	_ =	task.clear_ibuf [dreg:s8], $0x8FFFF;
	_ =	strace $0x90000049  }
0xbb: {  	s29 =	simm.s32 $0x9;
	_ =	strace $0x8000004B  }
0xbc: {  	_ =	swait.ge [sflag:s29], $0x1  }
0xbd: {  	[sflag:s29] =	ssyncadd.s32 $0xFFFFFFFF  }
0xbe: {  	_ =	strace $0x9000004B  }
0xbf: {  	_ =	sfence  }
0xc0: {  	s30 =	sld [smem:$0x0];
	_ =	sdelay $0x2  }
0xc1: {  	s31 =	sshll.u32 s1, $0xD;
	s1 =	sshrl.u32 s1, $0x2  }
0xc2: {  	s3 =	sand.u32 $0x4000, s31;
	s1 =	sadd.s32 s1, s30  }
0xc3: {  	s0 =	sor.u32 s3, s0;
	s1 =	sshll.u32 s1, $0x11  }
0xc4: {  	s0 =	sor.u32 s1, s0  }
0xc5: {  	s0 =	sadd.s32 $0x8F2B, s0  }
0xc6: {  	[sflag:s0] =	ssyncadd.remote.s32 $0x1  }
0xc7: {  	_ =	sfence.sel $0xFFFF  }
0xc8: {  	[dreg:$0x0] =	wrdreg $0xFFFFFFFF;
	(pc) =	sbr.abs _section_cstart, $3  }
0xc9: {  	[dreg:$0x1] =	wrdreg $0xFFFFFFFF  }
0xca: {  	_ =	task.clear_ibuf [dreg:s8], $0x2FFFF;
	_ =	strace $0x9FFFFFFF  }
0xcb: {  	(tm) =	ssettm $0x7FFFFFFF  }
tec
execute0_lowered:
.L_overlay_start_1:
0x0: {  	(tag) =	ssettag $0x1  }
0x1: {  	s0 =	stileid.u32  }
0x2: {  	s7 =	rddreg [dreg:$0x0];
	s6 =	smul.u32 $0x4E200, s0  }
0x3: {  	s1 =	rddreg [dreg:$0x1];
	s8 =	smul.u32 $0x9C40, s0  }
0x4: {  	s14 =	rddreg [dreg:$0x2];
	s10 =	smul.u32 $0x4E20, s0  }
0x5: {  	s2 =	rddreg [dreg:$0x3];
	s19 =	smul.u32 $0x13800, s0  }
0x6: {  	s3 =	srdreg.scid;
	s23 =	smul.u32 $0x9C00, s0  }
0x7: {  	s4 =	rddreg [dreg:$0x4];
	s25 =	smul.u32 $0x4E000, s0  }
0x8: {  	s5 =	simm.s32 $0x0;
	s9 =	sand.u32 $0x1, s3;
	s29 =	smul.u32 $0x2700, s0  }
0x9: {  	[smem:$0x7FF] =	sst s5;
	p0 =	seq.s32 s0, $0xF;
	s11 =	smul.u32 $0x2710, s9  }
0xa: {  	s3 =	rddreg [dreg:$0x5];
	s12 =	smul.u32 $0x138800, s9;
	_ =	strace $0x8000004A  }
0xb: {  	s22 =	ssub.s32 $0x2, s9;
	s18 =	smul.u32 $0x4E20, s9;
	s13 =	sadd.s32 s6, s7  }
0xc: {  	s15 =	sadd.s32 s8, s7;
	s6 =	sadd.s32 $0x5400, s7;
	s24 =	sshrl.u32 s22, $0x1  }
0xd: {  	s26 =	sshrl.u32 s23, $0x2;
	s28 =	sshrl.u32 s25, $0x2;
	s10 =	sadd.s32 s11, s10  }
0xe: {  	s21 =	sadd.s32 s19, s12;
	s19 =	smul.u32 $0x27100, s9;
	s9 =	sadd.s32 s26, s4  }
0xf: {  	s30 =	sadd.s32 s18, s15;
	s18 =	simm.s32 $0x3550;
	s20 =	sshrl.u32 s10, $0x3  }
0x10: {  	s8 =	sshrl.u32 s21, $0x3;
	s10 =	sadd.s32 s28, s2;
	s11 =	sadd.s32 $0x40200, s30  }
0x11: {  	s21 =	simm.s32 $0x0;
	s16 =	sadd.s32 s20, s7;
	s17 =	sadd.s32 s8, s7  }
0x12: {  	s7 =	simm.s32 $0x28;
	s8 =	ssub.s32 s22, s24;
	s13 =	sadd.s32 s19, s13  }
0x13: {  	s31 =	sadd.s32 s29, s19;
	s19 =	simm.s32 $0x50;
	s20 =	simm.s32 $0x2850  }
0x14: {  	s7 =	simm.s32 @!p0 $0x27;
	s8 =	smax.u32 s8, $0x1;
	s12 =	sadd.s32 $0x1EF1200, s13  }
0x15: {  	s15 =	sshrl.u32 s31, $0x3;
	s13 =	sadd.s32 $0xF200, s16;
	s16 =	simm.s32 $0x2D50  }
0x16: {  	s14 =	sadd.s32 s15, s14;
	s15 =	sadd.s32 $0xDC600, s17;
	s17 =	simm.s32 $0x1  }
.LBB2_1:
0x17: {  	[tilespmem:s16], [sflag:$0x1] =	stream.linear.gather [hbm4b:s1+s5], $0x800, $0x38;
	[tilespmem:$0x195E0] =	vst v63  }
0x18: {  	_ =	swait.ge [sflag:s17], $0x800  }
0x19: {  	[sflag:s17] =	ssyncset.done $0x0  }
0x1a: {  	[sflag:s17] =	ssyncadd.s32 $0xFFFFF800  }
0x1b: {  	[tilespmem:s18], [sflag:$0x1] =	stream.linear.gather [hbm4b:s6+s5], $0x100, $0x38;
	[tilespmem:$0x195E0] =	vst v63  }
0x1c: {  	_ =	swait.ge [sflag:s17], $0x100  }
0x1d: {  	[sflag:s17] =	ssyncset.done $0x0  }
0x1e: {  	[sflag:s17] =	ssyncadd.s32 $0xFFFFFF00  }
0x1f: {  	[spmem:s10] =	stream.linear.scatter [tilespmem:s16], [sflag:$0x1], $0x800, $0x38;
	[tilespmem:$0x195E0] =	vst v63  }
0x20: {  	p0 =	sne.s32 s7, $0x1;
	_ =	swait.ge [sflag:s17], $0x800  }
.Ltmp0:
0x21: {  	[sflag:s17] =	ssyncset.done $0x0;
	(pc) =	sbr.rel @!p0 .LBB2_3-.Ltmp0, $4  }
0x22: {  	[sflag:s17] =	ssyncadd.s32 $0xFFFFF800  }
0x23: {  	[spmem:s9] =	stream.linear.scatter [tilespmem:s18], [sflag:$0x1], $0x100, $0x38;
	[tilespmem:$0x195E0] =	vst v63  }
0x24: {  	s22 =	sadd.s32 $0xFFFFFFFF, s7;
	_ =	swait.ge [sflag:s17], $0x100  }
0x25: {  	s23 =	smov.u32 s9;
	s24 =	smov.u32 s10;
	[sflag:s17] =	ssyncset.done $0x0  }
.LBB2_2:
0x26: {  	[sflag:s17] =	ssyncadd.s32 $0xFFFFFF00;
	s23 =	sadd.s32 $0x100, s23;
	s24 =	sadd.s32 $0x800, s24  }
0x27: {  	[spmem:s24] =	stream.linear.scatter [tilespmem:s16], [sflag:$0x1], $0x800, $0x38;
	[tilespmem:$0x195E0] =	vst v63  }
0x28: {  	p1 =	sne.s32 s22, $0x1;
	s22 =	sadd.s32 $0xFFFFFFFF, s22;
	_ =	swait.ge [sflag:s17], $0x800  }
.Ltmp1:
0x29: {  	[sflag:s17] =	ssyncset.done $0x0;
	(pc) =	sbr.rel @p1 .LBB2_2-.Ltmp1, $4  }
0x2a: {  	[sflag:s17] =	ssyncadd.s32 $0xFFFFF800  }
0x2b: {  	[spmem:s23] =	stream.linear.scatter [tilespmem:s18], [sflag:$0x1], $0x100, $0x38;
	[tilespmem:$0x195E0] =	vst v63  }
0x2c: {  	_ =	swait.ge [sflag:s17], $0x100  }
0x2d: {  	[sflag:s17] =	ssyncset.done $0x0  }
.LBB2_3:
0x2e: {  	[sflag:s17] =	ssyncadd.s32 $0xFFFFFF00  }
0x2f: {  	s22 =	sadd.s32 $0x0, s13;
	[bflag:$0x0] =	sbarrier.arrive $0xFFFF  }
0x30: {  	[tilespmem:s5], [sflag:$0x1] =	stream.linear.gather [hbm4b:s22+s5], $0x50, $0x38;
	[tilespmem:$0x195E0] =	vst v63  }
0x31: {  	_ =	swait.ge [sflag:s17], $0x50  }
0x32: {  	[sflag:s17] =	ssyncset.done $0x0  }
0x33: {  	[sflag:s17] =	ssyncadd.s32 $0xFFFFFFB0  }
0x34: {  	[tilespmem:s19], [sflag:$0x1] =	stream.linear.gather [hbm4b:s12+s5], $0x2800, $0x38;
	[tilespmem:$0x195E0] =	vst v63  }
0x35: {  	_ =	swait.ge [sflag:s17], $0x2800  }
0x36: {  	[sflag:s17] =	ssyncset.done $0x0  }
0x37: {  	[sflag:s17] =	ssyncadd.s32 $0xFFFFD800  }
0x38: {  	[tilespmem:s20], [sflag:$0x1] =	stream.linear.gather [hbm4b:s11+s5], $0x500, $0x38;
	[tilespmem:$0x195E0] =	vst v63  }
0x39: {  	_ =	swait.ge [sflag:s17], $0x500  }
0x3a: {  	[sflag:s17] =	ssyncset.done $0x0  }
0x3b: {  	[sflag:s17] =	ssyncadd.s32 $0xFFFFFB00  }
0x3c: {  	[spmem:s2] =	stream.indirect.scatter.add.f32 [tilespmem:s19], [sflag:$0x1], $0x80, s5, s19, $0xb8;
	[tilespmem:$0x195E0] =	vst v63  }
0x3d: {  	_ =	swait.ge [sflag:s17], $0x2800  }
0x3e: {  	[sflag:s17] =	ssyncset.done $0x0  }
0x3f: {  	[sflag:s17] =	ssyncadd.s32 $0xFFFFD800  }
0x40: {  	[spmem:s4] =	stream.indirect.scatter.add.f32 [tilespmem:s20], [sflag:$0x1], $0x10, s5, s19, $0xb8;
	[tilespmem:$0x195E0] =	vst v63  }
0x41: {  	s24 =	simm.s32 $0xA;
	s25 =	simm.s32 $0x14;
	_ =	swait.ge [sflag:s17], $0x500  }
0x42: {  	s23 =	sadd.s32 $0x500, s12;
	s22 =	sadd.s32 $0xA0, s11;
	[sflag:s17] =	ssyncset.done $0x0  }
.LBB2_4:
0x43: {  	s26 =	sadd.s32 s24, s13  }
0x44: {  	[sflag:s17] =	ssyncadd.s32 $0xFFFFFB00;
	s24 =	smov.u32 s25;
	s28 =	sadd.s32 $0xA, s25  }
0x45: {  	[tilespmem:s5], [sflag:$0x1] =	stream.linear.gather [hbm4b:s26+s5], $0x50, $0x38;
	[tilespmem:$0x195E0] =	vst v63  }
0x46: {  	p1 =	sne.s32 s25, $0x4D8;
	_ =	swait.ge [sflag:s17], $0x50  }
0x47: {  	[sflag:s17] =	ssyncset.done $0x0  }
0x48: {  	[sflag:s17] =	ssyncadd.s32 $0xFFFFFFB0  }
0x49: {  	[tilespmem:s19], [sflag:$0x1] =	stream.linear.gather [hbm4b:s23+s5], $0x2800, $0x38;
	[tilespmem:$0x195E0] =	vst v63  }
0x4a: {  	_ =	swait.ge [sflag:s17], $0x2800  }
0x4b: {  	[sflag:s17] =	ssyncset.done $0x0  }
0x4c: {  	[sflag:s17] =	ssyncadd.s32 $0xFFFFD800  }
0x4d: {  	[tilespmem:s20], [sflag:$0x1] =	stream.linear.gather [hbm4b:s22+s5], $0x500, $0x38;
	[tilespmem:$0x195E0] =	vst v63  }
0x4e: {  	_ =	swait.ge [sflag:s17], $0x500  }
0x4f: {  	[sflag:s17] =	ssyncset.done $0x0  }
0x50: {  	[sflag:s17] =	ssyncadd.s32 $0xFFFFFB00  }
0x51: {  	[spmem:s2] =	stream.indirect.scatter.add.f32 [tilespmem:s19], [sflag:$0x1], $0x80, s5, s19, $0xb8;
	[tilespmem:$0x195E0] =	vst v63  }
0x52: {  	_ =	swait.ge [sflag:s17], $0x2800  }
.Ltmp2:
0x53: {  	[sflag:s17] =	ssyncset.done $0x0;
	(pc) =	sbr.rel @p1 .LBB2_4-.Ltmp2, $4  }
0x54: {  	[sflag:s17] =	ssyncadd.s32 $0xFFFFD800  }
0x55: {  	[spmem:s4] =	stream.indirect.scatter.add.f32 [tilespmem:s20], [sflag:$0x1], $0x10, s5, s19, $0xb8;
	[tilespmem:$0x195E0] =	vst v63  }
0x56: {  	s25 =	smov.u32 s28;
	_ =	swait.ge [sflag:s17], $0x500  }
0x57: {  	s23 =	sadd.s32 $0x500, s23;
	s22 =	sadd.s32 $0xA0, s22;
	[sflag:s17] =	ssyncset.done $0x0  }
0x58: {  	s24 =	sadd.s32 s24, s13;
	[sflag:s17] =	ssyncadd.s32 $0xFFFFFB00  }
0x59: {  	[tilespmem:s5], [sflag:$0x1] =	stream.linear.gather [hbm4b:s24+s5], $0x50, $0x38;
	[tilespmem:$0x195E0] =	vst v63  }
0x5a: {  	_ =	swait.ge [sflag:s17], $0x50  }
0x5b: {  	[sflag:s17] =	ssyncset.done $0x0  }
0x5c: {  	[sflag:s17] =	ssyncadd.s32 $0xFFFFFFB0  }
0x5d: {  	[tilespmem:s19], [sflag:$0x1] =	stream.linear.gather [hbm4b:s23+s5], $0x2800, $0x38;
	[tilespmem:$0x195E0] =	vst v63  }
0x5e: {  	_ =	swait.ge [sflag:s17], $0x2800  }
0x5f: {  	[sflag:s17] =	ssyncset.done $0x0  }
0x60: {  	[sflag:s17] =	ssyncadd.s32 $0xFFFFD800  }
0x61: {  	[tilespmem:s20], [sflag:$0x1] =	stream.linear.gather [hbm4b:s22+s5], $0x500, $0x38;
	[tilespmem:$0x195E0] =	vst v63  }
0x62: {  	_ =	swait.ge [sflag:s17], $0x500  }
0x63: {  	[sflag:s17] =	ssyncset.done $0x0  }
0x64: {  	[sflag:s17] =	ssyncadd.s32 $0xFFFFFB00  }
0x65: {  	[spmem:s2] =	stream.indirect.scatter.add.f32 [tilespmem:s19], [sflag:$0x1], $0x80, s5, s19, $0xb8;
	[tilespmem:$0x195E0] =	vst v63  }
0x66: {  	_ =	swait.ge [sflag:s17], $0x2800  }
0x67: {  	[sflag:s17] =	ssyncset.done $0x0  }
0x68: {  	[sflag:s17] =	ssyncadd.s32 $0xFFFFD800  }
0x69: {  	[spmem:s4] =	stream.indirect.scatter.add.f32 [tilespmem:s20], [sflag:$0x1], $0x10, s5, s19, $0xb8;
	[tilespmem:$0x195E0] =	vst v63  }
0x6a: {  	_ =	swait.ge [sflag:s17], $0x500  }
0x6b: {  	[sflag:s17] =	ssyncset.done $0x0  }
0x6c: {  	[sflag:s17] =	ssyncadd.s32 $0xFFFFFB00  }
0x6d: {  	[bflag:$0x0] =	sbarrier.arrive $0xFFFF  }
0x6e: {  	[tilespmem:s16], [sflag:$0x1] =	stream.linear.gather [spmem:s10], $0x800, $0x38;
	[tilespmem:$0x195E0] =	vst v63  }
0x6f: {  	_ =	swait.ge [sflag:s17], $0x800  }
0x70: {  	[sflag:s17] =	ssyncset.done $0x0  }
0x71: {  	[sflag:s17] =	ssyncadd.s32 $0xFFFFF800  }
0x72: {  	[hbm4b:s15+s5] =	stream.linear.scatter [tilespmem:s16], [sflag:$0x1], $0x800, $0x38;
	[tilespmem:$0x195E0] =	vst v63  }
0x73: {  	_ =	swait.ge [sflag:s17], $0x800  }
0x74: {  	[sflag:s17] =	ssyncset.done $0x0  }
0x75: {  	[sflag:s17] =	ssyncadd.s32 $0xFFFFF800  }
0x76: {  	[tilespmem:s18], [sflag:$0x1] =	stream.linear.gather [spmem:s9], $0x100, $0x38;
	[tilespmem:$0x195E0] =	vst v63  }
0x77: {  	_ =	swait.ge [sflag:s17], $0x100  }
.Ltmp3:
0x78: {  	[sflag:s17] =	ssyncset.done $0x0;
	(pc) =	sbr.rel @!p0 .LBB2_7-.Ltmp3, $4  }
0x79: {  	s25 =	smov.u32 s9;
	[sflag:s17] =	ssyncadd.s32 $0xFFFFFF00  }
0x7a: {  	[hbm4b:s14+s5] =	stream.linear.scatter [tilespmem:s18], [sflag:$0x1], $0x100, $0x38;
	[tilespmem:$0x195E0] =	vst v63  }
0x7b: {  	s26 =	smov.u32 s14;
	s24 =	sadd.s32 $0x100, s15;
	_ =	swait.ge [sflag:s17], $0x100  }
0x7c: {  	s23 =	sadd.s32 $0x800, s10;
	s22 =	sadd.s32 $0xFFFFFFFF, s7;
	[sflag:s17] =	ssyncset.done $0x0  }
.LBB2_6:
0x7d: {  	[sflag:s17] =	ssyncadd.s32 $0xFFFFFF00;
	s25 =	sadd.s32 $0x100, s25;
	s26 =	sadd.s32 $0x20, s26  }
0x7e: {  	[tilespmem:s16], [sflag:$0x1] =	stream.linear.gather [spmem:s23], $0x800, $0x38;
	[tilespmem:$0x195E0] =	vst v63  }
0x7f: {  	p0 =	sne.s32 s22, $0x1;
	s22 =	sadd.s32 $0xFFFFFFFF, s22;
	_ =	swait.ge [sflag:s17], $0x800  }
0x80: {  	[sflag:s17] =	ssyncset.done $0x0  }
0x81: {  	[sflag:s17] =	ssyncadd.s32 $0xFFFFF800  }
0x82: {  	[hbm4b:s24+s5] =	stream.linear.scatter [tilespmem:s16], [sflag:$0x1], $0x800, $0x38;
	[tilespmem:$0x195E0] =	vst v63  }
0x83: {  	_ =	swait.ge [sflag:s17], $0x800  }
0x84: {  	[sflag:s17] =	ssyncset.done $0x0  }
0x85: {  	[sflag:s17] =	ssyncadd.s32 $0xFFFFF800  }
0x86: {  	[tilespmem:s18], [sflag:$0x1] =	stream.linear.gather [spmem:s25], $0x100, $0x38;
	[tilespmem:$0x195E0] =	vst v63  }
0x87: {  	_ =	swait.ge [sflag:s17], $0x100  }
.Ltmp4:
0x88: {  	[sflag:s17] =	ssyncset.done $0x0;
	(pc) =	sbr.rel @p0 .LBB2_6-.Ltmp4, $4  }
0x89: {  	[sflag:s17] =	ssyncadd.s32 $0xFFFFFF00  }
0x8a: {  	[hbm4b:s26+s5] =	stream.linear.scatter [tilespmem:s18], [sflag:$0x1], $0x100, $0x38;
	[tilespmem:$0x195E0] =	vst v63  }
0x8b: {  	_ =	swait.ge [sflag:s17], $0x100  }
0x8c: {  	s23 =	sadd.s32 $0x800, s23;
	s24 =	sadd.s32 $0x100, s24;
	[sflag:s17] =	ssyncset.done $0x0  }
.LBB2_7:
0x8d: {  	s21 =	sadd.s32 $0x1, s21  }
0x8e: {  	p0 =	sne.s32 s21, s8  }
.Ltmp5:
0x8f: {  	_ = 	snop;
	(pc) =	sbr.rel @p0 .LBB2_1-.Ltmp5, $2  }
0x90: {  	_ =	sdelay $0x2  }
0x91: {  	[sflag:s17] =	ssyncadd.s32 $0xFFFFFF00  }
0x92: {  	_ =	sfence.sel $0x180000  }
0x93: {  	[bflag:$0x0] =	sbarrier.arrive $0xFFFF  }
0x94: {  	p0 =	sne.s32 s0, $0x0;
	_ =	strace $0x9000004A  }
0x95: {  	s0 =	sadd.s32 @!p0 $0x100000, s3;
	[bflag:$0x2] =	sbarrier.arrive $0xFFFF  }
0x96: {  	[sflag:s0] =	ssyncadd.tile.s32 @!p0 $0x1;
	_ =	shalt  }
.Lfunc_end2:
_tile_overlayer_lowered:
.L_overlay_start_2:
0x97: {  	(tag) =	ssettag $0x2  }
0x98: {  	s0 =	rddreg [dreg:$0x0];
	s2 =	stileid.u32  }
0x99: {  	s1 =	rddreg [dreg:$0x1];
	p0 =	sne.s32 s2, $0x0  }
0x9a: {  	s3 =	rddreg [dreg:$0x2];
	[bflag:$0x3] =	sbarrier.arrive $0xFFFF;
	s2 =	simm.s32 @!p0 $0x1C01  }
0x9b: {  	[timem:s3], [sflag:s2] =	dma.local @!p0 [hbm:s0], s1  }
0x9c: {  	s0 =	simm.s32 @!p0 $0x1  }
0x9d: {  	_ =	swait.ge @!p0 [sflag:s0], s1  }
0x9e: {  	s1 =	ssub.s32 @!p0 $0x0, s1;
	[sflag:s0] =	ssyncset.done @!p0 $0x0  }
0x9f: {  	[sflag:s0] =	ssyncadd.s32 @!p0 s1  }
0xa0: {  	[bflag:$0x3] =	sbarrier.arrive $0xFFFF  }
0xa1: {  	_ =	shalt  }

// kernel: kernel.7.cloned.1.call-start
scs
__scs_entry_jumppad:
0x0: {  	(pc) =	sbr.rel $0x88, $3  }
0x1: {  	(tag) =	ssettag $0x0;
	lr =	simm.s32 $0x1  }
0x2: {  	[smem:$0x3F8F] =	sst lr;
	_ =	strace $0xD0000000  }
0x3: {  	_ = 	snop  }
0x4: {  	_ = 	snop  }
0x5: {  	_ = 	snop  }
0x6: {  	_ = 	snop  }
0x7: {  	_ = 	snop  }
__scs_overlays_trampoline_lowered:
0x8: {  	[smem:$0x3F9E] =	sst s0  }
0x9: {  	[smem:$0x3F9F] =	sst s1  }
0xa: {  	[smem:$0x3FA0] =	sst s2  }
0xb: {  	[smem:$0x3FA1] =	sst s3  }
0xc: {  	[smem:$0x3FA2] =	sst s4  }
0xd: {  	[smem:$0x3FA3] =	sst s5  }
0xe: {  	[smem:$0x3FA4] =	sst s6  }
0xf: {  	[smem:$0x3FA5] =	sst s7  }
0x10: {  	[smem:$0x3FA6] =	sst s8  }
0x11: {  	[smem:$0x3FA7] =	sst s9;
	s0 =	simm.s32 @!p0 $0x0  }
0x12: {  	s1 =	sld [smem:$0x3F8D];
	s0 =	simm.s32 @p0 $0x1  }
0x13: {  	[smem:$0x3FA8] =	sst s0;
	s0 =	simm.s32 @!p1 $0x0  }
0x14: {  	s2 =	sld [smem:$0x3F8C];
	s0 =	simm.s32 @p1 $0x1  }
0x15: {  	[smem:$0x3FA9] =	sst s0;
	s0 =	simm.s32 @!p2 $0x0  }
0x16: {  	s3 =	sld [smem:$0x3FDB];
	s0 =	simm.s32 @p2 $0x1  }
0x17: {  	s4 =	simm.s32 $0x1BF5;
	[smem:$0x3FAB] =	sst s0  }
0x18: {  	s0 =	sld [smem:$0x3F8E];
	_ =	swait.ge [sflag:s4], $0x0  }
0x19: {  	s7 =	sld [smem:$0x3F8F]  }
0x1a: {  	s8 =	sadd.s32 $0xFFFFE003, lr  }
0x1b: {  	s9 =	sadd.s32 $0xFFFFFEF7, lr;
	s5 =	simm.s32 $0xFFFFFFFF;
	p2 =	slt.u32 s8, $0xFFFFF086  }
0x1c: {  	p1 =	slt.u32 s9, $0xF7A;
	s5 =	simm.s32 @!p2 $0x0  }
0x1d: {  	s5 =	simm.s32 @p1 $0x1;
	p0 =	seq.s32 s7, s2  }
0x1e: {  	s7 =	smul.u32 @!p0 $0xF7A, s2;
	p2 =	seq.s32 @!p0 s5, $0x0  }
0x1f: {  	s9 =	smul.u32 $0xF7A, s1;
	s8 =	simm.s32 @!p0 $0x1BF5;
	p2 =	por !p2, p0  }
0x20: {  	[sflag:s8] =	ssyncset.s32 @!p0 $0xFFFFF086;
	s6 =	sadd.s32 @!p0 s3, s7;
	s7 =	simm.s32 @!p0 $0x108  }
0x21: {  	s3 =	sadd.s32 s3, s9;
	s6 =	sadd.s32 @!p0 $0x88, s6;
	s7 =	simm.s32 @p2 $0x1082  }
0x22: {  	[simem:s7], [sflag:s8] =	dma.local @!p0 [hbm:s6], $0xF7A  }
0x23: {  	s9 =	sor.u32 $0xD0000000, s2;
	s6 =	simm.s32 $0x108;
	_ =	swait.ge @!p0 [sflag:s8], $0x0  }
0x24: {  	s3 =	sadd.s32 $0x88, s3;
	s6 =	simm.s32 @!p1 $0x1082;
	[sflag:s4] =	ssyncset.s32 $0xFFFFF086  }
0x25: {  	[simem:s6], [sflag:s4] =	dma.local [hbm:s3], $0xF7A  }
0x26: {  	[smem:$0x3F8F] =	sst s1;
	(tag) =	ssettag s2;
	_ =	strace s9  }
0x27: {  	s1 =	sld [smem:$0x3F9F]  }
0x28: {  	s2 =	sld [smem:$0x3FA0]  }
0x29: {  	s4 =	sld [smem:$0x3FA2]  }
0x2a: {  	p0 =	seq.s32 s5, $0x0;
	s5 =	sld [smem:$0x3FA3]  }
0x2b: {  	s6 =	sld [smem:$0x3FA4]  }
0x2c: {  	s7 =	sld [smem:$0x3FA5]  }
0x2d: {  	s3 =	simm.s32 $0x108;
	s8 =	sld [smem:$0x3FA6]  }
0x2e: {  	s3 =	simm.s32 @!p0 $0x1082;
	s9 =	sld [smem:$0x3FA7]  }
0x2f: {  	lr =	sadd.s32 s0, s3;
	s0 =	sld [smem:$0x3F9E]  }
0x30: {  	s3 =	sld [smem:$0x3FA1]  }
0x31: {  	[smem:$0x3FAA] =	sst s10  }
0x32: {  	s10 =	sld [smem:$0x3FA8];
	_ =	sdelay $0x3  }
0x33: {  	p0 =	seq.s32 s10, $0x1;
	s10 =	sld [smem:$0x3FAA];
	_ =	sdelay $0x3  }
0x34: {  	[smem:$0x3FAA] =	sst s10  }
0x35: {  	s10 =	sld [smem:$0x3FA9];
	_ =	sdelay $0x3  }
0x36: {  	p1 =	seq.s32 s10, $0x1;
	s10 =	sld [smem:$0x3FAA];
	_ =	sdelay $0x3  }
0x37: {  	[smem:$0x3FAA] =	sst s10  }
0x38: {  	s10 =	sld [smem:$0x3FAB]  }
0x39: {  	_ = 	snop;
	(pc) =	sbr.ind lr, $3  }
0x3a: {  	_ = 	snop  }
0x3b: {  	_ = 	snop  }
0x3c: {  	p2 =	seq.s32 s10, $0x1;
	s10 =	sld [smem:$0x3FAA]  }
0x3d: {  	_ =	shalt  }
0x3e: {  	_ =	shalt  }
0x3f: {  	_ =	shalt  }
0x40: {  	_ =	shalt  }
0x41: {  	_ =	shalt  }
0x42: {  	_ =	shalt  }
0x43: {  	_ =	shalt  }
0x44: {  	_ =	shalt  }
0x45: {  	_ =	shalt  }
0x46: {  	_ =	shalt  }
0x47: {  	_ =	shalt  }
0x48: {  	_ =	shalt  }
0x49: {  	_ =	shalt  }
0x4a: {  	_ =	shalt  }
0x4b: {  	_ =	shalt  }
0x4c: {  	_ =	shalt  }
0x4d: {  	_ =	shalt  }
0x4e: {  	_ =	shalt  }
0x4f: {  	_ =	shalt  }
0x50: {  	_ =	shalt  }
0x51: {  	_ =	shalt  }
0x52: {  	_ =	shalt  }
0x53: {  	_ =	shalt  }
0x54: {  	_ =	shalt  }
0x55: {  	_ =	shalt  }
0x56: {  	_ =	shalt  }
0x57: {  	_ =	shalt  }
0x58: {  	_ =	shalt  }
0x59: {  	_ =	shalt  }
0x5a: {  	_ =	shalt  }
0x5b: {  	_ =	shalt  }
0x5c: {  	_ =	shalt  }
0x5d: {  	_ =	shalt  }
0x5e: {  	_ =	shalt  }
0x5f: {  	_ =	shalt  }
0x60: {  	_ =	shalt  }
0x61: {  	_ =	shalt  }
0x62: {  	_ =	shalt  }
0x63: {  	_ =	shalt  }
0x64: {  	_ =	shalt  }
0x65: {  	_ =	shalt  }
0x66: {  	_ =	shalt  }
0x67: {  	_ =	shalt  }
0x68: {  	_ =	shalt  }
0x69: {  	_ =	shalt  }
0x6a: {  	_ =	shalt  }
0x6b: {  	_ =	shalt  }
0x6c: {  	_ =	shalt  }
0x6d: {  	_ =	shalt  }
0x6e: {  	_ =	shalt  }
0x6f: {  	_ =	shalt  }
0x70: {  	_ =	shalt  }
0x71: {  	_ =	shalt  }
0x72: {  	_ =	shalt  }
0x73: {  	_ =	shalt  }
0x74: {  	_ =	shalt  }
0x75: {  	_ =	shalt  }
0x76: {  	_ =	shalt  }
0x77: {  	_ =	shalt  }
0x78: {  	_ =	shalt  }
0x79: {  	_ =	shalt  }
0x7a: {  	_ =	shalt  }
0x7b: {  	_ =	shalt  }
0x7c: {  	_ =	shalt  }
0x7d: {  	_ =	shalt  }
0x7e: {  	_ =	shalt  }
0x7f: {  	_ =	shalt  }
0x80: {  	_ =	shalt  }
0x81: {  	_ =	shalt  }
0x82: {  	_ =	shalt  }
0x83: {  	_ =	shalt  }
0x84: {  	_ =	shalt  }
0x85: {  	_ =	shalt  }
0x86: {  	_ =	shalt  }
0x87: {  	_ =	shalt  }
.Lfunc_end0:
.L_simem_size_0:
called_computation_lowered:
.L_overlay_start_0:
0x88: {  	s2 =	sld [smem:$0x3FD9]  }
0x89: {  	s3 =	sld [smem:$0x3FFE];
	_ =	sdelay $0x1  }
0x8a: {  	s1 =	srdreg.scid  }
0x8b: {  	s0 =	sand.u32 $0x1, s1  }
0x8c: {  	s14 =	sshll.u32 s0, $0xA;
	s2 =	sadd.s32 s3, s2  }
0x8d: {  	s2 =	sadd.s32 s2, s14  }
0x8e: {  	[smem:$0x3FB6] =	sst s2  }
0x8f: {  	_ = 	snop  }
0x90: {  	s2 =	sld [smem:$0x3FD0];
	_ =	sdelay $0x2  }
0x91: {  	s15 =	simm.s32 $0xA;
	s4 =	simm.s32 $0x10  }
0x92: {  	[smem:s4], [sflag:s15] =	dma.local [hbm:s2], $0x1  }
0x93: {  	_ =	swait.eq [sflag:s15], $0x1  }
0x94: {  	[sflag:s15] =	ssyncset.done $0x0  }
0x95: {  	[sflag:s15] =	ssyncadd.s32 $0xFFFFFFFF  }
0x96: {  	s16 =	sld [smem:$0x10];
	(tm) =	ssettm $0x1  }
0x97: {  	s17 =	sld [smem:$0x3FFB];
	_ =	sdelay $0x3  }
0x98: {  	_ =	strace s17  }
0x99: {  	s3 =	sld [smem:$0x3FFC];
	_ =	sdelay $0x3  }
0x9a: {  	_ =	strace s3  }
0x9b: {  	s3 =	sld [smem:$0x3FFD];
	_ =	sdelay $0x3  }
0x9c: {  	_ =	strace s3  }
0x9d: {  	_ =	strace $0x8FFFFFFF  }
0x9e: {  	s18 =	sld [smem:$0x3FDB];
	_ =	sdelay $0x1  }
0x9f: {  	s19 =	simm.s32 $_scs_section_size  }
0xa0: {  	s5 =	simm.s32 $_size__tile_overlayer_lowered;
	s6 =	simm.s32 $_tile_overlayer_lowered  }
0xa1: {  	s22 =	simm.s32 $0x1BFF;
	s21 =	sshll.u32 s6, $0x1;
	s3 =	sadd.s32 s19, s18  }
0xa2: {  	s7 =	simm.s32 $0x0;
	s20 =	sshll.u32 s5, $0x1;
	s5 =	sadd.s32 s21, s3  }
0xa3: {  	[timem:s7], [sflag:s22] =	dma.local [hbm:s5], s20  }
0xa4: {  	_ =	swait.ge [sflag:s22], s20  }
0xa5: {  	s4 =	ssub.s32 $0x0, s20;
	[sflag:s22] =	ssyncset.done $0x0  }
0xa6: {  	[sflag:s22] =	ssyncadd.s32 s4;
	_ =	sdelay $0x1  }
0xa7: {  	s23 =	simm.s32 $0x1B8B  }
0xa8: {  	_ =	swait.ge [sflag:s23], $0x1  }
0xa9: {  	[sflag:s23] =	ssyncset.done $0x0  }
0xaa: {  	s25 =	simm.s32 $0x1B8E;
	s24 =	sld [smem:$0x3FFE];
	[sflag:s23] =	ssyncadd.s32 $0xFFFFFFFF  }
0xab: {  	s26 =	simm.s32 $execute0_lowered;
	[smem:$0x3FD2] =	sst s25  }
0xac: {  	s5 =	sshll.u32 s26, $0x1;
	_ =	strace $0x80000046;
	[dreg:$0x1] =	wrdreg $0xFFFFFFFF  }
0xad: {  	s28 =	simm.s32 $_size_execute0_lowered;
	s3 =	sadd.s32 s3, s5;
	[dreg:$0x0] =	wrdreg $0x0  }
0xae: {  	s5 =	sshll.u32 s28, $0x1;
	[dreg:$0x2] =	wrdreg s3  }
0xaf: {  	[dreg:$0x3] =	wrdreg s5  }
0xb0: {  	[dreg:$0x4] =	wrdreg $0xC0  }
0xb1: {  	_ =	task [dreg:s7], $0x5FFFF  }
0xb2: {  	[dreg:$0x1] =	wrdreg $0xFFFFFFFF  }
0xb3: {  	[dreg:$0x0] =	wrdreg $0x60  }
0xb4: {  	[dreg:$0x2] =	wrdreg s16  }
0xb5: {  	[dreg:$0x3] =	wrdreg s24  }
0xb6: {  	[dreg:$0x4] =	wrdreg $0x9  }
0xb7: {  	_ =	task.clear_ibuf [dreg:s7], $0x5FFFF;
	_ =	strace $0x90000046  }
0xb8: {  	s29 =	simm.s32 $0x9;
	_ =	strace $0x80000048  }
0xb9: {  	_ =	swait.ge [sflag:s29], $0x1  }
0xba: {  	[sflag:s29] =	ssyncadd.s32 $0xFFFFFFFF  }
0xbb: {  	_ =	strace $0x90000048  }
0xbc: {  	_ =	sfence  }
0xbd: {  	s30 =	sld [smem:$0x0];
	_ =	sdelay $0x2  }
0xbe: {  	s31 =	sshll.u32 s1, $0xD;
	s1 =	sshrl.u32 s1, $0x2  }
0xbf: {  	s3 =	sand.u32 $0x4000, s31;
	s1 =	sadd.s32 s1, s30  }
0xc0: {  	s0 =	sor.u32 s3, s0;
	s1 =	sshll.u32 s1, $0x11  }
0xc1: {  	s0 =	sor.u32 s1, s0  }
0xc2: {  	s0 =	sadd.s32 $0x8F2B, s0  }
0xc3: {  	[sflag:s0] =	ssyncadd.remote.s32 $0x1  }
0xc4: {  	_ =	sfence.sel $0xFFFF  }
0xc5: {  	[dreg:$0x0] =	wrdreg $0xFFFFFFFF;
	(pc) =	sbr.abs _section_cstart, $3  }
0xc6: {  	[dreg:$0x1] =	wrdreg $0xFFFFFFFF  }
0xc7: {  	_ =	task.clear_ibuf [dreg:s7], $0x2FFFF;
	_ =	strace $0x9FFFFFFF  }
0xc8: {  	(tm) =	ssettm $0x7FFFFFFF  }
0xc9: {  	_ =	shalt  }
tec
execute0_lowered:
.L_overlay_start_1:
0x0: {  	(tag) =	ssettag $0x1  }
0x1: {  	s0 =	rddreg [dreg:$0x1];
	s3 =	simm.s32 $0x0;
	s2 =	srdreg.scid  }
0x2: {  	s1 =	stileid.u32;
	s28 =	simm.s32 $0x5AF0;
	s30 =	simm.s32 $0x8340  }
0x3: {  	s31 =	simm.s32 $0xAB40;
	[smem:$0x7FF] =	sst s3;
	s2 =	sand.u32 $0x1, s2  }
0x4: {  	s4 =	sadd.s32 $0x45200, s0;
	s25 =	sadd.s32 $0x5400, s0;
	s29 =	sadd.s32 $0xF200, s0  }
0x5: {  	s5 =	sshll.u32 s1, $0x1;
	s9 =	sadd.s32 $0x1A4C00, s0;
	s11 =	sadd.s32 $0x686C00, s0  }
0x6: {  	s10 =	smul.u32 $0x4E20, s1;
	s14 =	sadd.s32 $0x6C400, s0;
	_ =	strace $0x80000047  }
0x7: {  	s7 =	sor.u32 s2, s5;
	s12 =	ssub.s32 $0x2, s2;
	s13 =	smul.u32 $0x2710, s2  }
0x8: {  	s5 =	sadd.s32 $0x40200, s0;
	s8 =	smul.u32 $0x2710, s7;
	s15 =	sshrl.u32 s12, $0x1  }
0x9: {  	s0 =	sadd.s32 $0x108800, s0;
	s12 =	ssub.s32 s12, s15;
	s10 =	sadd.s32 s13, s10  }
0xa: {  	s20 =	sshrl.u32 s8, $0x3;
	s8 =	sadd.s32 $0x26C0, s8;
	s13 =	sadd.s32 $0x50, s10  }
0xb: {  	s6 =	sadd.s32 s25, s20;
	s21 =	sadd.s32 s29, s20;
	s22 =	sshrl.u32 s8, $0x3  }
0xc: {  	s16 =	sshrl.u32 s13, $0x4;
	s17 =	sshll.u32 s8, $0x4;
	[dreg:$0xb] =	wrdreg s6  }
0xd: {  	s8 =	sshll.u32 s8, $0x1;
	[dreg:$0xc] =	wrdreg s21;
	s23 =	sadd.s32 s25, s22  }
0xe: {  	s18 =	sshll.u32 s16, $0x5;
	s24 =	sadd.s32 s29, s22;
	[dreg:$0xd] =	wrdreg s23  }
0xf: {  	s26 =	sadd.s32 s9, s17;
	s19 =	sadd.s32 s11, s17;
	[dreg:$0xe] =	wrdreg s24  }
0x10: {  	s20 =	sadd.s32 s14, s8;
	s16 =	sshll.u32 s16, $0x8;
	[dreg:$0xf] =	wrdreg s26  }
0x11: {  	s22 =	sadd.s32 s0, s8;
	s17 =	sadd.s32 $0xA0, s10;
	[dreg:$0x10] =	wrdreg s19  }
0x12: {  	s8 =	simm.s32 $0x2;
	s10 =	simm.s32 $0x4;
	[dreg:$0x11] =	wrdreg s20  }
0x13: {  	s6 =	simm.s32 $0x0;
	s7 =	sadd.s32 s18, s14;
	[dreg:$0x12] =	wrdreg s22  }
0x14: {  	s21 =	sadd.s32 s18, s0;
	s23 =	sadd.s32 s16, s9;
	[dreg:$0x14] =	wrdreg s17  }
0x15: {  	s24 =	sadd.s32 s16, s11;
	s26 =	smul.u32 $0x9C40, s1;
	[dreg:$0x3] =	wrdreg s7  }
0x16: {  	s16 =	smul.u32 $0x4E200, s1;
	s22 =	sshrl.u32 s13, $0x3;
	[dreg:$0x4] =	wrdreg s21  }
0x17: {  	[dreg:$0x5] =	wrdreg s23;
	s7 =	smax.u32 s12, $0x1;
	s12 =	smul.u32 $0x4E20, s2  }
0x18: {  	s13 =	simm.s32 $0x7;
	[dreg:$0x6] =	wrdreg s24;
	s2 =	smul.u32 $0x27100, s2  }
0x19: {  	s24 =	sadd.s32 s22, s29;
	[dreg:$0x13] =	wrdreg s7;
	s0 =	sadd.s32 s26, s0  }
0x1a: {  	s15 =	sadd.s32 s26, s14;
	s19 =	sadd.s32 s16, s11;
	s21 =	sadd.s32 s16, s9  }
0x1b: {  	[dreg:$0x15] =	wrdreg s24;
	s26 =	sadd.s32 s22, s25;
	s9 =	simm.s32 $0x3  }
0x1c: {  	s11 =	simm.s32 $0x5;
	s0 =	sadd.s32 s12, s0;
	[dreg:$0x16] =	wrdreg s26  }
0x1d: {  	s14 =	simm.s32 $0x8;
	s18 =	sadd.s32 s12, s15;
	[dreg:$0x7] =	wrdreg s0  }
0x1e: {  	s20 =	sadd.s32 s2, s19;
	s23 =	sadd.s32 s2, s21;
	[dreg:$0x8] =	wrdreg s18  }
0x1f: {  	s21 =	simm.s32 $0x50;
	s26 =	simm.s32 $0x5AA0;
	[dreg:$0x9] =	wrdreg s20  }
0x20: {  	s2 =	simm.s32 $0x1;
	s12 =	simm.s32 $0x6;
	[dreg:$0xa] =	wrdreg s23  }
0x21: {  	s20 =	simm.s32 $0x9;
	s23 =	simm.s32 $0x5B40;
	s0 =	simm.s32 $0xB040  }
.LBB2_1:
0x22: {  	[dreg:$0x17] =	wrdreg s6  }
0x23: {  	s1 =	rddreg [dreg:$0xb]  }
0x24: {  	[tilespmem:s3], [sflag:$0x9] =	stream.linear.gather [hbm4b:s1+s3], $0x50, $0x38;
	[tilespmem:$0xB540] =	vst v63  }
0x25: {  	_ =	swait.ge [sflag:s20], $0x50  }
0x26: {  	[sflag:s20] =	ssyncset.done $0x0  }
0x27: {  	s19 =	rddreg [dreg:$0xc];
	[sflag:s20] =	ssyncadd.s32 $0xFFFFFFB0  }
0x28: {  	[tilespmem:s21], [sflag:$0x9] =	stream.linear.gather [hbm4b:s19+s3], $0x50, $0x38;
	[tilespmem:$0xB540] =	vst v63  }
0x29: {  	_ =	swait.ge [sflag:s20], $0x50  }
0x2a: {  	[sflag:s20] =	ssyncset.done $0x0  }
0x2b: {  	[sflag:s20] =	ssyncadd.s32 $0xFFFFFFB0  }
0x2c: {  	s22 =	simm.s32 $0xA0;
	s1 =	rddreg [dreg:$0x0]  }
0x2d: {  	[tilespmem:s22], [sflag:$0x1] =	stream.indirect.gather [hbm4b:s1+s21], $0x80, s3, s21, $0xb8;
	[tilespmem:$0xB540] =	vst v63  }
0x2e: {  	s16 =	simm.s32 $0x28A0  }
0x2f: {  	[tilespmem:s16], [sflag:$0x2] =	stream.indirect.gather [hbm4b:s4+s21], $0x80, s21, s21, $0xb8;
	[tilespmem:$0xB540] =	vst v63  }
0x30: {  	s17 =	simm.s32 $0x50A0  }
0x31: {  	[tilespmem:s17], [sflag:$0x3] =	stream.indirect.gather [hbm4b:s5+s21], $0x10, s3, s21, $0xb8;
	[tilespmem:$0xB540] =	vst v63  }
0x32: {  	s18 =	simm.s32 $0x55A0  }
0x33: {  	[tilespmem:s18], [sflag:$0x4] =	stream.indirect.gather [hbm4b:s5+s21], $0x10, s21, s21, $0xb8;
	[tilespmem:$0xB540] =	vst v63  }
0x34: {  	s19 =	rddreg [dreg:$0x16]  }
0x35: {  	[tilespmem:s26], [sflag:$0x9] =	stream.linear.gather [hbm4b:s19+s3], $0x50, $0x38;
	[tilespmem:$0xB540] =	vst v63  }
0x36: {  	_ =	swait.ge [sflag:s20], $0x50  }
0x37: {  	[sflag:s20] =	ssyncset.done $0x0  }
0x38: {  	s7 =	rddreg [dreg:$0x15];
	[sflag:s20] =	ssyncadd.s32 $0xFFFFFFB0  }
0x39: {  	[tilespmem:s28], [sflag:$0x9] =	stream.linear.gather [hbm4b:s7+s3], $0x50, $0x38;
	[tilespmem:$0xB540] =	vst v63  }
0x3a: {  	_ =	swait.ge [sflag:s20], $0x50  }
0x3b: {  	[sflag:s20] =	ssyncset.done $0x0  }
0x3c: {  	[sflag:s20] =	ssyncadd.s32 $0xFFFFFFB0  }
0x3d: {  	[tilespmem:s23], [sflag:$0x5] =	stream.indirect.gather [hbm4b:s1+s21], $0x80, s26, s21, $0xb8;
	[tilespmem:$0xB540] =	vst v63  }
0x3e: {  	_ = 	snop  }
0x3f: {  	[tilespmem:s30], [sflag:$0x6] =	stream.indirect.gather [hbm4b:s4+s21], $0x80, s28, s21, $0xb8;
	[tilespmem:$0xB540] =	vst v63  }
0x40: {  	_ = 	snop  }
0x41: {  	[tilespmem:s31], [sflag:$0x7] =	stream.indirect.gather [hbm4b:s5+s21], $0x10, s26, s21, $0xb8;
	[tilespmem:$0xB540] =	vst v63  }
0x42: {  	_ = 	snop  }
0x43: {  	[tilespmem:s0], [sflag:$0x8] =	stream.indirect.gather [hbm4b:s5+s21], $0x10, s28, s21, $0xb8;
	[tilespmem:$0xB540] =	vst v63  }
0x44: {  	_ =	swait.ge [sflag:s2], $0x2800  }
0x45: {  	[sflag:s2] =	ssyncset.done $0x0  }
0x46: {  	[sflag:s2] =	ssyncadd.s32 $0xFFFFD800  }
0x47: {  	_ =	swait.ge [sflag:s8], $0x2800  }
0x48: {  	[sflag:s8] =	ssyncset.done $0x0  }
0x49: {  	[sflag:s8] =	ssyncadd.s32 $0xFFFFD800  }
0x4a: {  	_ =	swait.ge [sflag:s9], $0x500  }
0x4b: {  	[sflag:s9] =	ssyncset.done $0x0  }
0x4c: {  	[sflag:s9] =	ssyncadd.s32 $0xFFFFFB00  }
0x4d: {  	_ =	swait.ge [sflag:s10], $0x500  }
0x4e: {  	s15 =	rddreg [dreg:$0xa];
	[sflag:s10] =	ssyncset.done $0x0  }
0x4f: {  	[sflag:s10] =	ssyncadd.s32 $0xFFFFFB00;
	s15 =	sadd.s32 $0x0, s15  }
0x50: {  	[hbm4b:s15+s3] =	stream.linear.scatter [tilespmem:s22], [sflag:$0x9], $0x2800, $0x38;
	[tilespmem:$0xB540] =	vst v63  }
0x51: {  	_ =	swait.ge [sflag:s20], $0x2800  }
0x52: {  	s24 =	rddreg [dreg:$0x9];
	[sflag:s20] =	ssyncset.done $0x0  }
0x53: {  	[sflag:s20] =	ssyncadd.s32 $0xFFFFD800;
	s15 =	sadd.s32 $0x0, s24  }
0x54: {  	[hbm4b:s15+s3] =	stream.linear.scatter [tilespmem:s16], [sflag:$0x9], $0x2800, $0x38;
	[tilespmem:$0xB540] =	vst v63  }
0x55: {  	_ =	swait.ge [sflag:s20], $0x2800  }
0x56: {  	s6 =	rddreg [dreg:$0x8];
	[sflag:s20] =	ssyncset.done $0x0  }
0x57: {  	[sflag:s20] =	ssyncadd.s32 $0xFFFFD800;
	s15 =	sadd.s32 $0x0, s6  }
0x58: {  	[hbm4b:s15+s3] =	stream.linear.scatter [tilespmem:s17], [sflag:$0x9], $0x500, $0x38;
	[tilespmem:$0xB540] =	vst v63  }
0x59: {  	_ =	swait.ge [sflag:s20], $0x500  }
0x5a: {  	s16 =	rddreg [dreg:$0x7];
	[sflag:s20] =	ssyncset.done $0x0  }
0x5b: {  	[sflag:s20] =	ssyncadd.s32 $0xFFFFFB00;
	s15 =	sadd.s32 $0x0, s16  }
0x5c: {  	[hbm4b:s15+s3] =	stream.linear.scatter [tilespmem:s18], [sflag:$0x9], $0x500, $0x38;
	[tilespmem:$0xB540] =	vst v63  }
0x5d: {  	_ =	swait.ge [sflag:s20], $0x500  }
0x5e: {  	p0 =	por $0x0, $0x0;
	s6 =	rddreg [dreg:$0x14]  }
0x5f: {  	s16 =	simm.s32 @!p0 $0x9;
	[sflag:s20] =	ssyncset.done $0x0;
	s15 =	sshrl.u32 @!p0 s6, $0x3  }
0x60: {  	s18 =	simm.s32 @!p0 $0x0;
	[sflag:s20] =	ssyncadd.s32 $0xFFFFFB00;
	s17 =	sadd.s32 @!p0 s25, s15  }
0x61: {  	[tilespmem:s18], [sflag:$0x9] =	stream.linear.gather @!p0 [hbm4b:s17+s18], $0x50, $0x38;
	[tilespmem:$0xB540] =	vst v63  }
0x62: {  	_ =	swait.ge @!p0 [sflag:s16], $0x50  }
0x63: {  	[sflag:s16] =	ssyncset.done @!p0 $0x0  }
0x64: {  	s15 =	sadd.s32 @!p0 s29, s15;
	s17 =	simm.s32 @!p0 $0x50;
	[sflag:s16] =	ssyncadd.s32 @!p0 $0xFFFFFFB0  }
0x65: {  	[tilespmem:s17], [sflag:$0x9] =	stream.linear.gather @!p0 [hbm4b:s15+s18], $0x50, $0x38;
	[tilespmem:$0xB540] =	vst v63  }
0x66: {  	_ =	swait.ge @!p0 [sflag:s16], $0x50  }
0x67: {  	[sflag:s16] =	ssyncset.done @!p0 $0x0  }
0x68: {  	s15 =	simm.s32 @!p0 $0xA0;
	[sflag:s16] =	ssyncadd.s32 @!p0 $0xFFFFFFB0  }
0x69: {  	[tilespmem:s15], [sflag:$0x1] =	stream.indirect.gather @!p0 [hbm4b:s1+s17], $0x80, s18, s17, $0xb8;
	[tilespmem:$0xB540] =	vst v63  }
0x6a: {  	s15 =	simm.s32 @!p0 $0x28A0  }
0x6b: {  	[tilespmem:s15], [sflag:$0x2] =	stream.indirect.gather @!p0 [hbm4b:s4+s17], $0x80, s17, s17, $0xb8;
	[tilespmem:$0xB540] =	vst v63  }
0x6c: {  	s15 =	simm.s32 @!p0 $0x50A0  }
0x6d: {  	[tilespmem:s15], [sflag:$0x3] =	stream.indirect.gather @!p0 [hbm4b:s5+s17], $0x10, s18, s17, $0xb8;
	[tilespmem:$0xB540] =	vst v63  }
0x6e: {  	s15 =	simm.s32 @!p0 $0x55A0  }
0x6f: {  	[tilespmem:s15], [sflag:$0x4] =	stream.indirect.gather @!p0 [hbm4b:s5+s17], $0x10, s17, s17, $0xb8;
	[tilespmem:$0xB540] =	vst v63  }
0x70: {  	_ =	swait.ge [sflag:s11], $0x2800  }
0x71: {  	[sflag:s11] =	ssyncset.done $0x0  }
0x72: {  	[sflag:s11] =	ssyncadd.s32 $0xFFFFD800  }
0x73: {  	_ =	swait.ge [sflag:s12], $0x2800  }
0x74: {  	[sflag:s12] =	ssyncset.done $0x0  }
0x75: {  	[sflag:s12] =	ssyncadd.s32 $0xFFFFD800  }
0x76: {  	_ =	swait.ge [sflag:s13], $0x500  }
0x77: {  	[sflag:s13] =	ssyncset.done $0x0  }
0x78: {  	[sflag:s13] =	ssyncadd.s32 $0xFFFFFB00  }
0x79: {  	_ =	swait.ge [sflag:s14], $0x500  }
0x7a: {  	s17 =	rddreg [dreg:$0x5];
	[sflag:s14] =	ssyncset.done $0x0  }
0x7b: {  	[sflag:s14] =	ssyncadd.s32 $0xFFFFFB00;
	s15 =	sadd.s32 $0x0, s17  }
0x7c: {  	[hbm4b:s15+s3] =	stream.linear.scatter [tilespmem:s23], [sflag:$0x9], $0x2800, $0x38;
	[tilespmem:$0xB540] =	vst v63  }
0x7d: {  	_ =	swait.ge [sflag:s20], $0x2800  }
0x7e: {  	s18 =	rddreg [dreg:$0x6];
	[sflag:s20] =	ssyncset.done $0x0  }
0x7f: {  	[sflag:s20] =	ssyncadd.s32 $0xFFFFD800;
	s15 =	sadd.s32 $0x0, s18  }
0x80: {  	[hbm4b:s15+s3] =	stream.linear.scatter [tilespmem:s30], [sflag:$0x9], $0x2800, $0x38;
	[tilespmem:$0xB540] =	vst v63  }
0x81: {  	_ =	swait.ge [sflag:s20], $0x2800  }
0x82: {  	s22 =	rddreg [dreg:$0x3];
	[sflag:s20] =	ssyncset.done $0x0  }
0x83: {  	[sflag:s20] =	ssyncadd.s32 $0xFFFFD800;
	s15 =	sadd.s32 $0x0, s22  }
0x84: {  	[hbm4b:s15+s3] =	stream.linear.scatter [tilespmem:s31], [sflag:$0x9], $0x500, $0x38;
	[tilespmem:$0xB540] =	vst v63  }
0x85: {  	_ =	swait.ge [sflag:s20], $0x500  }
0x86: {  	s24 =	rddreg [dreg:$0x4];
	[sflag:s20] =	ssyncset.done $0x0  }
0x87: {  	s16 =	simm.s32 $0x140;
	[sflag:s20] =	ssyncadd.s32 $0xFFFFFB00;
	s15 =	sadd.s32 $0x0, s24  }
0x88: {  	[hbm4b:s15+s3] =	stream.linear.scatter [tilespmem:s0], [sflag:$0x9], $0x500, $0x38;
	[tilespmem:$0xB540] =	vst v63  }
0x89: {  	s17 =	sadd.s32 $0x14, s19;
	s19 =	sadd.s32 $0x14, s7;
	_ =	swait.ge [sflag:s20], $0x500  }
0x8a: {  	s18 =	simm.s32 $0xA00;
	s15 =	smov.u32 s6;
	[sflag:s20] =	ssyncset.done $0x0  }
.LBB2_2:
0x8b: {  	[sflag:s20] =	ssyncadd.s32 $0xFFFFFB00  }
0x8c: {  	[tilespmem:s26], [sflag:$0x9] =	stream.linear.gather [hbm4b:s17+s3], $0x50, $0x38;
	[tilespmem:$0xB540] =	vst v63  }
0x8d: {  	_ =	swait.ge [sflag:s20], $0x50  }
0x8e: {  	[sflag:s20] =	ssyncset.done $0x0  }
0x8f: {  	[sflag:s20] =	ssyncadd.s32 $0xFFFFFFB0  }
0x90: {  	[tilespmem:s28], [sflag:$0x9] =	stream.linear.gather [hbm4b:s19+s3], $0x50, $0x38;
	[tilespmem:$0xB540] =	vst v63  }
0x91: {  	_ =	swait.ge [sflag:s20], $0x50  }
0x92: {  	[sflag:s20] =	ssyncset.done $0x0  }
0x93: {  	[sflag:s20] =	ssyncadd.s32 $0xFFFFFFB0  }
0x94: {  	s6 =	rddreg [dreg:$0x0]  }
0x95: {  	[tilespmem:s23], [sflag:$0x5] =	stream.indirect.gather [hbm4b:s6+s21], $0x80, s26, s21, $0xb8;
	[tilespmem:$0xB540] =	vst v63  }
0x96: {  	_ = 	snop  }
0x97: {  	[tilespmem:s30], [sflag:$0x6] =	stream.indirect.gather [hbm4b:s4+s21], $0x80, s28, s21, $0xb8;
	[tilespmem:$0xB540] =	vst v63  }
0x98: {  	_ = 	snop  }
0x99: {  	[tilespmem:s31], [sflag:$0x7] =	stream.indirect.gather [hbm4b:s5+s21], $0x10, s26, s21, $0xb8;
	[tilespmem:$0xB540] =	vst v63  }
0x9a: {  	_ = 	snop  }
0x9b: {  	[tilespmem:s0], [sflag:$0x8] =	stream.indirect.gather [hbm4b:s5+s21], $0x10, s28, s21, $0xb8;
	[tilespmem:$0xB540] =	vst v63  }
0x9c: {  	_ =	swait.ge [sflag:s2], $0x2800  }
0x9d: {  	[sflag:s2] =	ssyncset.done $0x0  }
0x9e: {  	[sflag:s2] =	ssyncadd.s32 $0xFFFFD800  }
0x9f: {  	_ =	swait.ge [sflag:s8], $0x2800  }
0xa0: {  	[sflag:s8] =	ssyncset.done $0x0  }
0xa1: {  	[sflag:s8] =	ssyncadd.s32 $0xFFFFD800  }
0xa2: {  	_ =	swait.ge [sflag:s9], $0x500  }
0xa3: {  	[sflag:s9] =	ssyncset.done $0x0  }
0xa4: {  	[sflag:s9] =	ssyncadd.s32 $0xFFFFFB00  }
0xa5: {  	_ =	swait.ge [sflag:s10], $0x500  }
0xa6: {  	s1 =	rddreg [dreg:$0xa];
	[sflag:s10] =	ssyncset.done $0x0  }
0xa7: {  	[sflag:s10] =	ssyncadd.s32 $0xFFFFFB00;
	s23 =	sadd.s32 s18, s1;
	s1 =	simm.s32 $0xA0  }
0xa8: {  	[hbm4b:s23+s3] =	stream.linear.scatter [tilespmem:s1], [sflag:$0x9], $0x2800, $0x38;
	[tilespmem:$0xB540] =	vst v63  }
0xa9: {  	_ =	swait.ge [sflag:s20], $0x2800  }
0xaa: {  	s7 =	rddreg [dreg:$0x9];
	[sflag:s20] =	ssyncset.done $0x0  }
0xab: {  	s24 =	simm.s32 $0x28A0;
	[sflag:s20] =	ssyncadd.s32 $0xFFFFD800;
	s23 =	sadd.s32 s18, s7  }
0xac: {  	[hbm4b:s23+s3] =	stream.linear.scatter [tilespmem:s24], [sflag:$0x9], $0x2800, $0x38;
	[tilespmem:$0xB540] =	vst v63  }
0xad: {  	_ =	swait.ge [sflag:s20], $0x2800  }
0xae: {  	s22 =	smov.u32 s16;
	s7 =	rddreg [dreg:$0x8];
	[sflag:s20] =	ssyncset.done $0x0  }
0xaf: {  	s24 =	simm.s32 $0x50A0;
	[sflag:s20] =	ssyncadd.s32 $0xFFFFD800;
	s23 =	sadd.s32 s22, s7  }
0xb0: {  	[hbm4b:s23+s3] =	stream.linear.scatter [tilespmem:s24], [sflag:$0x9], $0x500, $0x38;
	[tilespmem:$0xB540] =	vst v63  }
0xb1: {  	_ =	swait.ge [sflag:s20], $0x500  }
0xb2: {  	p1 =	seq.s32 s22, $0x4C40;
	s1 =	rddreg [dreg:$0x7];
	[sflag:s20] =	ssyncset.done $0x0  }
0xb3: {  	s7 =	simm.s32 $0x55A0;
	[sflag:s20] =	ssyncadd.s32 $0xFFFFFB00;
	s23 =	sadd.s32 s22, s1  }
0xb4: {  	[hbm4b:s23+s3] =	stream.linear.scatter [tilespmem:s7], [sflag:$0x9], $0x500, $0x38;
	[tilespmem:$0xB540] =	vst v63  }
0xb5: {  	s15 =	sadd.s32 $0xA0, s15;
	s24 =	simm.s32 @!p1 $0x9;
	_ =	swait.ge [sflag:s20], $0x500  }
0xb6: {  	s1 =	simm.s32 @!p1 $0x0;
	s23 =	sshrl.u32 @!p1 s15, $0x3;
	[sflag:s20] =	ssyncset.done $0x0  }
0xb7: {  	s7 =	smov.u32 s25;
	s25 =	sadd.s32 @!p1 s25, s23;
	[sflag:s20] =	ssyncadd.s32 $0xFFFFFB00  }
0xb8: {  	[tilespmem:s1], [sflag:$0x9] =	stream.linear.gather @!p1 [hbm4b:s25+s1], $0x50, $0x38;
	[tilespmem:$0xB540] =	vst v63  }
0xb9: {  	_ =	swait.ge @!p1 [sflag:s24], $0x50  }
0xba: {  	[sflag:s24] =	ssyncset.done @!p1 $0x0  }
0xbb: {  	s23 =	sadd.s32 @!p1 s29, s23;
	s25 =	simm.s32 @!p1 $0x50;
	[sflag:s24] =	ssyncadd.s32 @!p1 $0xFFFFFFB0  }
0xbc: {  	[tilespmem:s25], [sflag:$0x9] =	stream.linear.gather @!p1 [hbm4b:s23+s1], $0x50, $0x38;
	[tilespmem:$0xB540] =	vst v63  }
0xbd: {  	_ =	swait.ge @!p1 [sflag:s24], $0x50  }
0xbe: {  	[sflag:s24] =	ssyncset.done @!p1 $0x0  }
0xbf: {  	s23 =	simm.s32 @!p1 $0xA0;
	[sflag:s24] =	ssyncadd.s32 @!p1 $0xFFFFFFB0  }
0xc0: {  	[tilespmem:s23], [sflag:$0x1] =	stream.indirect.gather @!p1 [hbm4b:s6+s25], $0x80, s1, s25, $0xb8;
	[tilespmem:$0xB540] =	vst v63  }
0xc1: {  	s23 =	simm.s32 @!p1 $0x28A0  }
0xc2: {  	[tilespmem:s23], [sflag:$0x2] =	stream.indirect.gather @!p1 [hbm4b:s4+s25], $0x80, s25, s25, $0xb8;
	[tilespmem:$0xB540] =	vst v63  }
0xc3: {  	s23 =	simm.s32 @!p1 $0x50A0  }
0xc4: {  	[tilespmem:s23], [sflag:$0x3] =	stream.indirect.gather @!p1 [hbm4b:s5+s25], $0x10, s1, s25, $0xb8;
	[tilespmem:$0xB540] =	vst v63  }
0xc5: {  	s1 =	simm.s32 @!p1 $0x55A0  }
0xc6: {  	[tilespmem:s1], [sflag:$0x4] =	stream.indirect.gather @!p1 [hbm4b:s5+s25], $0x10, s25, s25, $0xb8;
	[tilespmem:$0xB540] =	vst v63  }
0xc7: {  	_ =	swait.ge [sflag:s11], $0x2800  }
0xc8: {  	[sflag:s11] =	ssyncset.done $0x0  }
0xc9: {  	[sflag:s11] =	ssyncadd.s32 $0xFFFFD800  }
0xca: {  	_ =	swait.ge [sflag:s12], $0x2800  }
0xcb: {  	[sflag:s12] =	ssyncset.done $0x0  }
0xcc: {  	[sflag:s12] =	ssyncadd.s32 $0xFFFFD800  }
0xcd: {  	_ =	swait.ge [sflag:s13], $0x500  }
0xce: {  	[sflag:s13] =	ssyncset.done $0x0  }
0xcf: {  	[sflag:s13] =	ssyncadd.s32 $0xFFFFFB00  }
0xd0: {  	_ =	swait.ge [sflag:s14], $0x500  }
0xd1: {  	s24 =	rddreg [dreg:$0x5];
	[sflag:s14] =	ssyncset.done $0x0  }
0xd2: {  	s23 =	simm.s32 $0x5B40;
	[sflag:s14] =	ssyncadd.s32 $0xFFFFFB00;
	s1 =	sadd.s32 s18, s24  }
0xd3: {  	[hbm4b:s1+s3] =	stream.linear.scatter [tilespmem:s23], [sflag:$0x9], $0x2800, $0x38;
	[tilespmem:$0xB540] =	vst v63  }
0xd4: {  	_ =	swait.ge [sflag:s20], $0x2800  }
0xd5: {  	s6 =	rddreg [dreg:$0x6];
	[sflag:s20] =	ssyncset.done $0x0  }
0xd6: {  	[sflag:s20] =	ssyncadd.s32 $0xFFFFD800;
	s1 =	sadd.s32 s18, s6  }
0xd7: {  	[hbm4b:s1+s3] =	stream.linear.scatter [tilespmem:s30], [sflag:$0x9], $0x2800, $0x38;
	[tilespmem:$0xB540] =	vst v63  }
0xd8: {  	_ =	swait.ge [sflag:s20], $0x2800  }
0xd9: {  	s25 =	smov.u32 s7;
	s7 =	rddreg [dreg:$0x3];
	[sflag:s20] =	ssyncset.done $0x0  }
0xda: {  	s16 =	sadd.s32 $0x140, s16;
	[sflag:s20] =	ssyncadd.s32 $0xFFFFD800;
	s1 =	sadd.s32 s22, s7  }
0xdb: {  	[hbm4b:s1+s3] =	stream.linear.scatter [tilespmem:s31], [sflag:$0x9], $0x500, $0x38;
	[tilespmem:$0xB540] =	vst v63  }
0xdc: {  	p0 =	sne.s32 s16, $0x4D80;
	_ =	swait.ge [sflag:s20], $0x500  }
.Ltmp0:
0xdd: {  	s24 =	rddreg [dreg:$0x4];
	[sflag:s20] =	ssyncset.done $0x0;
	(pc) =	sbr.rel @p0 .LBB2_2-.Ltmp0, $4  }
0xde: {  	[sflag:s20] =	ssyncadd.s32 $0xFFFFFB00;
	s1 =	sadd.s32 s22, s24  }
0xdf: {  	[hbm4b:s1+s3] =	stream.linear.scatter [tilespmem:s0], [sflag:$0x9], $0x500, $0x38;
	[tilespmem:$0xB540] =	vst v63  }
0xe0: {  	s17 =	sadd.s32 $0x14, s17;
	_ =	swait.ge [sflag:s20], $0x500  }
0xe1: {  	s19 =	sadd.s32 $0x14, s19;
	s18 =	sadd.s32 $0xA00, s18;
	[sflag:s20] =	ssyncset.done $0x0  }
0xe2: {  	[sflag:s20] =	ssyncadd.s32 $0xFFFFFB00;
	s1 =	rddreg [dreg:$0xd]  }
0xe3: {  	[tilespmem:s3], [sflag:$0x9] =	stream.linear.gather [hbm4b:s1+s3], $0x50, $0x38;
	[tilespmem:$0xB540] =	vst v63  }
0xe4: {  	_ =	swait.ge [sflag:s20], $0x50  }
0xe5: {  	[sflag:s20] =	ssyncset.done $0x0  }
0xe6: {  	s19 =	rddreg [dreg:$0xe];
	[sflag:s20] =	ssyncadd.s32 $0xFFFFFFB0  }
0xe7: {  	[tilespmem:s21], [sflag:$0x9] =	stream.linear.gather [hbm4b:s19+s3], $0x50, $0x38;
	[tilespmem:$0xB540] =	vst v63  }
0xe8: {  	_ =	swait.ge [sflag:s20], $0x50  }
0xe9: {  	[sflag:s20] =	ssyncset.done $0x0  }
0xea: {  	[sflag:s20] =	ssyncadd.s32 $0xFFFFFFB0  }
0xeb: {  	s6 =	simm.s32 $0xA0;
	s22 =	rddreg [dreg:$0x0]  }
0xec: {  	[tilespmem:s6], [sflag:$0x1] =	stream.indirect.gather [hbm4b:s22+s21], $0x80, s3, s21, $0xb8;
	[tilespmem:$0xB540] =	vst v63  }
0xed: {  	s7 =	simm.s32 $0x28A0  }
0xee: {  	[tilespmem:s7], [sflag:$0x2] =	stream.indirect.gather [hbm4b:s4+s21], $0x80, s21, s21, $0xb8;
	[tilespmem:$0xB540] =	vst v63  }
0xef: {  	s15 =	simm.s32 $0x50A0  }
0xf0: {  	[tilespmem:s15], [sflag:$0x3] =	stream.indirect.gather [hbm4b:s5+s21], $0x10, s3, s21, $0xb8;
	[tilespmem:$0xB540] =	vst v63  }
0xf1: {  	s16 =	simm.s32 $0x55A0  }
0xf2: {  	[tilespmem:s16], [sflag:$0x4] =	stream.indirect.gather [hbm4b:s5+s21], $0x10, s21, s21, $0xb8;
	[tilespmem:$0xB540] =	vst v63  }
0xf3: {  	_ =	swait.ge [sflag:s2], $0x2800  }
0xf4: {  	[sflag:s2] =	ssyncset.done $0x0  }
0xf5: {  	[sflag:s2] =	ssyncadd.s32 $0xFFFFD800  }
0xf6: {  	_ =	swait.ge [sflag:s8], $0x2800  }
0xf7: {  	[sflag:s8] =	ssyncset.done $0x0  }
0xf8: {  	[sflag:s8] =	ssyncadd.s32 $0xFFFFD800  }
0xf9: {  	_ =	swait.ge [sflag:s9], $0x500  }
0xfa: {  	[sflag:s9] =	ssyncset.done $0x0  }
0xfb: {  	[sflag:s9] =	ssyncadd.s32 $0xFFFFFB00  }
0xfc: {  	_ =	swait.ge [sflag:s10], $0x500  }
0xfd: {  	[sflag:s10] =	ssyncset.done $0x0  }
0xfe: {  	s24 =	rddreg [dreg:$0xf];
	[sflag:s10] =	ssyncadd.s32 $0xFFFFFB00  }
0xff: {  	[hbm4b:s24+s3] =	stream.linear.scatter [tilespmem:s6], [sflag:$0x9], $0x2800, $0x38;
	[tilespmem:$0xB540] =	vst v63  }
0x100: {  	_ =	swait.ge [sflag:s20], $0x2800  }
0x101: {  	[sflag:s20] =	ssyncset.done $0x0  }
0x102: {  	s17 =	rddreg [dreg:$0x10];
	[sflag:s20] =	ssyncadd.s32 $0xFFFFD800  }
0x103: {  	[hbm4b:s17+s3] =	stream.linear.scatter [tilespmem:s7], [sflag:$0x9], $0x2800, $0x38;
	[tilespmem:$0xB540] =	vst v63  }
0x104: {  	_ =	swait.ge [sflag:s20], $0x2800  }
0x105: {  	[sflag:s20] =	ssyncset.done $0x0  }
0x106: {  	s18 =	rddreg [dreg:$0x11];
	[sflag:s20] =	ssyncadd.s32 $0xFFFFD800  }
0x107: {  	[hbm4b:s18+s3] =	stream.linear.scatter [tilespmem:s15], [sflag:$0x9], $0x500, $0x38;
	[tilespmem:$0xB540] =	vst v63  }
0x108: {  	_ =	swait.ge [sflag:s20], $0x500  }
0x109: {  	[sflag:s20] =	ssyncset.done $0x0  }
0x10a: {  	s19 =	rddreg [dreg:$0x12];
	[sflag:s20] =	ssyncadd.s32 $0xFFFFFB00  }
0x10b: {  	[hbm4b:s19+s3] =	stream.linear.scatter [tilespmem:s16], [sflag:$0x9], $0x500, $0x38;
	[tilespmem:$0xB540] =	vst v63  }
0x10c: {  	_ =	swait.ge [sflag:s20], $0x500  }
0x10d: {  	s22 =	rddreg [dreg:$0x17]  }
0x10e: {  	s24 =	rddreg [dreg:$0x13];
	s6 =	sadd.s32 $0x1, s22  }
0x10f: {  	p0 =	sne.s32 s6, s24  }
.Ltmp1:
0x110: {  	_ = 	snop;
	(pc) =	sbr.rel @p0 .LBB2_1-.Ltmp1, $3  }
0x111: {  	_ =	sdelay $0x1  }
0x112: {  	[sflag:s20] =	ssyncset.done $0x0  }
0x113: {  	[sflag:s20] =	ssyncadd.s32 $0xFFFFFB00  }
0x114: {  	_ =	sfence.sel $0x180000  }
0x115: {  	[bflag:$0x0] =	sbarrier.arrive $0xFFFF  }
0x116: {  	_ =	strace $0x90000047  }
0x117: {  	s0 =	stileid.u32;
	[bflag:$0x2] =	sbarrier.arrive $0xFFFF  }
0x118: {  	p0 =	sne.s32 s0, $0x0;
	s0 =	rddreg [dreg:$0x2]  }
0x119: {  	s0 =	sadd.s32 @!p0 $0x100000, s0  }
0x11a: {  	[sflag:s0] =	ssyncadd.tile.s32 @!p0 $0x1;
	_ =	shalt  }
.Lfunc_end2:
_tile_overlayer_lowered:
.L_overlay_start_2:
0x11b: {  	(tag) =	ssettag $0x2  }
0x11c: {  	s0 =	rddreg [dreg:$0x0];
	s2 =	stileid.u32  }
0x11d: {  	s1 =	rddreg [dreg:$0x1];
	p0 =	sne.s32 s2, $0x0  }
0x11e: {  	s3 =	rddreg [dreg:$0x2];
	[bflag:$0x3] =	sbarrier.arrive $0xFFFF;
	s2 =	simm.s32 @!p0 $0x1C09  }
0x11f: {  	[timem:s3], [sflag:s2] =	dma.local @!p0 [hbm:s0], s1  }
0x120: {  	s0 =	simm.s32 @!p0 $0x9  }
0x121: {  	_ =	swait.ge @!p0 [sflag:s0], s1  }
0x122: {  	s1 =	ssub.s32 @!p0 $0x0, s1;
	[sflag:s0] =	ssyncset.done @!p0 $0x0  }
0x123: {  	[sflag:s0] =	ssyncadd.s32 @!p0 s1  }
0x124: {  	[bflag:$0x3] =	sbarrier.arrive $0xFFFF  }
0x125: {  	_ =	shalt  }

</sc_bundles>
